<compile_context>
chip_gen: v7x
topology: tpu7x:2x2x1
jax: 0.10.2.dev20260603
libtpu: 0.0.44.dev20260713+nightly
codegen_flags: <defaults>
</compile_context>

<pallas_src>
import functools

import jax
import jax.numpy as jnp
from jax import lax
from jax.experimental import pallas as pl
from jax.experimental.pallas import tpu as pltpu
from jax.experimental.pallas import tpu_sc as plsc

FIN = 128
FH = 64
N_NODES = 10000
N_EDGES = 320000

NC, NS, L = 2, 16, 16
CW = 128
NBUF = 2
NCHUNK = 160
EDGES_PER_W = NCHUNK * CW
E_PAD = NS * EDGES_PER_W
N_ACC = 10240
ROWS_PER_TILE = N_ACC // NS
CNTW = 8
BR = 1024


def _sc_agg_body(with_counts, *refs):
    if with_counts:
        (feat, srcp, dstp, zrow, zcnt8, ones8, out, cnt_out,
         src_v, dst_v, *rest) = refs
        bufs = rest[:NBUF]
        ones_v, acc_sh, cnt_sh = rest[NBUF:NBUF + 3]
        semg = rest[NBUF + 3:]
    else:
        (feat, srcp, dstp, zrow, out, src_v, dst_v, *rest) = refs
        bufs = rest[:NBUF]
        acc_sh = rest[NBUF]
        semg = rest[NBUF + 1:]

    c = lax.axis_index("c")
    s = lax.axis_index("s")
    stripe = pl.ds(s * ROWS_PER_TILE, ROWS_PER_TILE)

    pltpu.sync_copy(zrow, acc_sh.at[stripe])
    if with_counts:
        pltpu.sync_copy(ones8, ones_v)
        pltpu.sync_copy(zcnt8, cnt_sh.at[stripe])
    plsc.subcore_barrier()

    pltpu.sync_copy(srcp.at[s], src_v)
    pltpu.sync_copy(dstp.at[s], dst_v)

    half = feat.at[c]
    for b in range(NBUF):
        pltpu.async_copy(half.at[src_v.at[b]], bufs[b], semg[b])

    def body(i, carry):
        j = NBUF * i
        for b in range(NBUF):
            pltpu.make_async_copy(half.at[src_v.at[j + b]], bufs[b],
                                  semg[b]).wait()
            pltpu.sync_copy(bufs[b], acc_sh.at[dst_v.at[j + b]], add=True)
            if with_counts:
                @pl.when(c == (b % 2))
                def _():
                    pltpu.sync_copy(ones_v, cnt_sh.at[dst_v.at[j + b]],
                                    add=True)

            @pl.when(j + b + NBUF < NCHUNK)
            def _():
                pltpu.async_copy(half.at[src_v.at[j + b + NBUF]], bufs[b],
                                 semg[b])

        return carry

    lax.fori_loop(0, NCHUNK // NBUF, body, 0)

    plsc.subcore_barrier()
    pltpu.sync_copy(acc_sh.at[stripe], out.at[c, stripe])
    if with_counts:
        pltpu.sync_copy(cnt_sh.at[stripe], cnt_out.at[c, stripe])


def _make_sc_agg(with_counts):
    out_type = [jax.ShapeDtypeStruct((NC, N_ACC, FH), jnp.float32)]
    if with_counts:
        out_type.append(jax.ShapeDtypeStruct((NC, N_ACC, CNTW), jnp.float32))
    scratch = [
        pltpu.VMEM((NCHUNK, CW), jnp.int32),
        pltpu.VMEM((NCHUNK, CW), jnp.int32),
    ]
    scratch += [pltpu.VMEM((CW, FH), jnp.float32) for _ in range(NBUF)]
    if with_counts:
        scratch.append(pltpu.VMEM((CW, CNTW), jnp.float32))
    scratch.append(pltpu.VMEM_SHARED((N_ACC, FH), jnp.float32))
    if with_counts:
        scratch.append(pltpu.VMEM_SHARED((N_ACC, CNTW), jnp.float32))
    scratch += [pltpu.SemaphoreType.DMA for _ in range(NBUF)]
    return pl.kernel(
        functools.partial(_sc_agg_body, with_counts),
        out_type=out_type,
        mesh=plsc.VectorSubcoreMesh(core_axis_name="c", subcore_axis_name="s"),
        scratch_types=scratch,
        compiler_params=pltpu.CompilerParams(use_tc_tiling_on_sc=False),
    )


def _tc_layer_body(relu, split_out, sp_ref, cnt_ref, x_ref, wl_ref, wr_ref,
                   b_ref, o_ref):
    cnt = cnt_ref[0, :, 0] + cnt_ref[1, :, 0]
    inv = 1.0 / jnp.maximum(cnt, 1.0)
    wl = wl_ref[...]
    wr = wr_ref[...]
    y = (jnp.dot(sp_ref[0] * inv[:, None], wl[:FH],
                 preferred_element_type=jnp.float32)
         + jnp.dot(sp_ref[1] * inv[:, None], wl[FH:],
                   preferred_element_type=jnp.float32)
         + jnp.dot(x_ref[0], wr[:FH], preferred_element_type=jnp.float32)
         + jnp.dot(x_ref[1], wr[FH:], preferred_element_type=jnp.float32)
         + b_ref[...])
    if relu:
        y = jnp.maximum(y, 0.0)
    if split_out:
        o_ref[0] = y[:, :FH]
        o_ref[1] = y[:, FH:]
    else:
        o_ref[...] = y


def _tc_layer(relu, split_out, sp, cnt, x2, wl, wr, b):
    if split_out:
        out_shape = jax.ShapeDtypeStruct((NC, N_ACC, FH), jnp.float32)
        out_spec = pl.BlockSpec((NC, BR, FH), lambda i: (0, i, 0))
    else:
        out_shape = jax.ShapeDtypeStruct((N_ACC, FIN), jnp.float32)
        out_spec = pl.BlockSpec((BR, FIN), lambda i: (i, 0))
    return pl.pallas_call(
        functools.partial(_tc_layer_body, relu, split_out),
        grid=(N_ACC // BR,),
        in_specs=[
            pl.BlockSpec((NC, BR, FH), lambda i: (0, i, 0)),
            pl.BlockSpec((NC, BR, CNTW), lambda i: (0, i, 0)),
            pl.BlockSpec((NC, BR, FH), lambda i: (0, i, 0)),
            pl.BlockSpec((FIN, FIN), lambda i: (0, 0)),
            pl.BlockSpec((FIN, FIN), lambda i: (0, 0)),
            pl.BlockSpec((1, FIN), lambda i: (0, 0)),
        ],
        out_specs=out_spec,
        out_shape=out_shape,
    )(sp, cnt, x2, wl, wr, b)


def kernel(x, edge_index, W1l, W1r, b1, W2l, W2r, b2):
    src = edge_index[0].astype(jnp.int32)
    dst = edge_index[1].astype(jnp.int32)
    npad = E_PAD - N_EDGES
    srcp = jnp.concatenate([src, jnp.zeros((npad,), jnp.int32)])
    dstp = jnp.concatenate([dst, jnp.full((npad,), N_NODES, jnp.int32)])
    srcp = srcp.reshape(NS, NCHUNK, CW)
    dstp = dstp.reshape(NS, NCHUNK, CW)
    xp = jnp.pad(x, ((0, N_ACC - N_NODES), (0, 0)))
    x2 = jnp.stack([xp[:, :FH], xp[:, FH:]])
    zrow = jnp.zeros((ROWS_PER_TILE, FH), jnp.float32)
    zcnt8 = jnp.zeros((ROWS_PER_TILE, CNTW), jnp.float32)
    ones8 = jnp.ones((CW, CNTW), jnp.float32)

    s1, cnt = _make_sc_agg(True)(x2, srcp, dstp, zrow, zcnt8, ones8)
    h2 = _tc_layer(True, True, s1, cnt, x2, W1l, W1r, b1.reshape(1, FIN))
    (s2,) = _make_sc_agg(False)(h2, srcp, dstp, zrow)
    out = _tc_layer(False, False, s2, cnt, h2, W2l, W2r, b2.reshape(1, FIN))
    return out[:N_NODES]

# --- scband reference (transcript-rebuilt; emitter-appended) ---
"""Pipeline reference for scband-crown-sage-29489245454480 (READ-ONLY COPY).

The authoritative reference and input builder live on the scoring server;
editing this copy changes nothing except your own understanding.
"""

import jax, jax.numpy as jnp
import numpy as np

FIN, HID, FOUT = 128, 128, 128
N_NODES, N_EDGES = 10000, 320000

def setup_inputs(seed: int = 0) -> dict:
    key = jax.random.key(seed)
    ks = jax.random.split(key, 8)
    x = jax.random.normal(ks[0], (N_NODES, FIN), dtype=jnp.float32)
    edge_index = jax.random.randint(ks[1], (2, N_EDGES), 0, N_NODES, dtype=jnp.int64)
    s1 = 1.0 / np.sqrt(FIN)
    s2 = 1.0 / np.sqrt(HID)
    W1l = jax.random.uniform(ks[2], (FIN, HID), dtype=jnp.float32, minval=-s1, maxval=s1)
    W1r = jax.random.uniform(ks[3], (FIN, HID), dtype=jnp.float32, minval=-s1, maxval=s1)
    b1 = jnp.zeros((HID,), dtype=jnp.float32)
    W2l = jax.random.uniform(ks[4], (HID, FOUT), dtype=jnp.float32, minval=-s2, maxval=s2)
    W2r = jax.random.uniform(ks[5], (HID, FOUT), dtype=jnp.float32, minval=-s2, maxval=s2)
    b2 = jnp.zeros((FOUT,), dtype=jnp.float32)
    return {"x": x, "edge_index": edge_index, "W1l": W1l, "W1r": W1r, "b1": b1, "W2l": W2l, "W2r": W2r, "b2": b2}

def _sage_conv(x, src, dst, n_nodes, Wl, Wr, b):
    # mean aggregation of neighbor (source) features onto destination nodes
    msg = x[src]
    agg = jax.ops.segment_sum(msg, dst, num_segments=n_nodes)
    cnt = jax.ops.segment_sum(jnp.ones((src.shape[0],), x.dtype), dst, num_segments=n_nodes)
    mean = agg / jnp.clip(cnt, 1.0, None)[:, None]
    return mean @ Wl + x @ Wr + b

def reference(x, edge_index, W1l, W1r, b1, W2l, W2r, b2):
    src = edge_index[0]
    dst = edge_index[1]
    n = x.shape[0]
    h = _sage_conv(x, src, dst, n, W1l, W1r, b1)
    h = jax.nn.relu(h)
    # dropout is identity in eval mode (deterministic reference)
    out = _sage_conv(h, src, dst, n, W2l, W2r, b2)
    return out

if __name__ == "__main__":
    import jax
    _d = setup_inputs()
    print(jax.jit(kernel)(*tuple(_d.values())))

</pallas_src>

<mosaic_0001>
#map = affine_map<(d0, d1) -> (0, 0, 0)>
#map1 = affine_map<(d0, d1) -> (0, 0)>
module attributes {stable_mosaic.version = 14 : i64} {
  func.func @_sc_agg_body(%arg0: i32, %arg1: i32, %arg2: memref<2x10240x64xf32, #tpu.memory_space<hbm>>, %arg3: memref<16x160x128xi32, #tpu.memory_space<hbm>>, %arg4: memref<16x160x128xi32, #tpu.memory_space<hbm>>, %arg5: memref<640x64xf32, #tpu.memory_space<hbm>>, %arg6: memref<640x8xf32, #tpu.memory_space<hbm>>, %arg7: memref<128x8xf32, #tpu.memory_space<hbm>>, %arg8: memref<2x10240x64xf32, #tpu.memory_space<hbm>>, %arg9: memref<2x10240x8xf32, #tpu.memory_space<hbm>>, %arg10: memref<160x128xi32, #tpu.memory_space<vmem>>, %arg11: memref<160x128xi32, #tpu.memory_space<vmem>>, %arg12: memref<128x64xf32, #tpu.memory_space<vmem>>, %arg13: memref<128x64xf32, #tpu.memory_space<vmem>>, %arg14: memref<128x8xf32, #tpu.memory_space<vmem>>, %arg15: memref<10240x64xf32, #tpu.memory_space<vmem_shared>>, %arg16: memref<10240x8xf32, #tpu.memory_space<vmem_shared>>, %arg17: memref<!tpu.dma_semaphore, #tpu.memory_space<semaphore_mem>>, %arg18: memref<!tpu.dma_semaphore, #tpu.memory_space<semaphore_mem>>) attributes {dimension_semantics = [#tpu.dimension_semantics<core_parallel>, #tpu.dimension_semantics<subcore_parallel>], iteration_bounds = array<i64: 2, 16>, scalar_prefetch = 0 : i64, scratch_operands = 9 : i64, tpu.core_type = #tpu.core_type<sc_vector_subcore>, window_params = [{transform_indices = #map}, {transform_indices = #map}, {transform_indices = #map}, {transform_indices = #map1}, {transform_indices = #map1}, {transform_indices = #map1}, {transform_indices = #map}, {transform_indices = #map}]} {
    %mul3A = arith.constant 640 : i32
    %mul3A_0 = arith.muli %arg1, %mul3A : i32
    "tpu.region"() ({
      %run_scoped3A = tpu.sem_alloc : memref<!tpu.dma_semaphore, #tpu.memory_space<semaphore_mem>>
      %dma_start3A_28 = arith.constant 0 : i32
      %dma_start3A_29 = tpu.memref_slice %arg15[%mul3A_0, %dma_start3A_28] : memref<10240x64xf32, #tpu.memory_space<vmem_shared>> -> memref<640x64xf32, #tpu.memory_space<vmem_shared>>
      tpu.enqueue_dma source(%arg5 : memref<640x64xf32, #tpu.memory_space<hbm>>) target(%dma_start3A_29 : memref<640x64xf32, #tpu.memory_space<vmem_shared>>) target_semaphore(%run_scoped3A : memref<!tpu.dma_semaphore, #tpu.memory_space<semaphore_mem>>)
      %dma_wait3A = arith.constant 0 : i32
      %dma_wait3A_30 = tpu.memref_slice %arg15[%mul3A_0, %dma_wait3A] : memref<10240x64xf32, #tpu.memory_space<vmem_shared>> -> memref<640x64xf32, #tpu.memory_space<vmem_shared>>
      tpu.wait_dma2 semaphore(%run_scoped3A : memref<!tpu.dma_semaphore, #tpu.memory_space<semaphore_mem>>) src(%arg5 : memref<640x64xf32, #tpu.memory_space<hbm>>) dst(%dma_wait3A_30 : memref<640x64xf32, #tpu.memory_space<vmem_shared>>)
      tpu.yield
    }) : () -> ()
    "tpu.region"() ({
      %run_scoped3A = tpu.sem_alloc : memref<!tpu.dma_semaphore, #tpu.memory_space<semaphore_mem>>
      tpu.enqueue_dma source(%arg7 : memref<128x8xf32, #tpu.memory_space<hbm>>) target(%arg14 : memref<128x8xf32, #tpu.memory_space<vmem>>) target_semaphore(%run_scoped3A : memref<!tpu.dma_semaphore, #tpu.memory_space<semaphore_mem>>)
      tpu.wait_dma2 semaphore(%run_scoped3A : memref<!tpu.dma_semaphore, #tpu.memory_space<semaphore_mem>>) src(%arg7 : memref<128x8xf32, #tpu.memory_space<hbm>>) dst(%arg14 : memref<128x8xf32, #tpu.memory_space<vmem>>)
      tpu.yield
    }) : () -> ()
    "tpu.region"() ({
      %run_scoped3A = tpu.sem_alloc : memref<!tpu.dma_semaphore, #tpu.memory_space<semaphore_mem>>
      %dma_start3A_28 = arith.constant 0 : i32
      %dma_start3A_29 = tpu.memref_slice %arg16[%mul3A_0, %dma_start3A_28] : memref<10240x8xf32, #tpu.memory_space<vmem_shared>> -> memref<640x8xf32, #tpu.memory_space<vmem_shared>>
      tpu.enqueue_dma source(%arg6 : memref<640x8xf32, #tpu.memory_space<hbm>>) target(%dma_start3A_29 : memref<640x8xf32, #tpu.memory_space<vmem_shared>>) target_semaphore(%run_scoped3A : memref<!tpu.dma_semaphore, #tpu.memory_space<semaphore_mem>>)
      %dma_wait3A = arith.constant 0 : i32
      %dma_wait3A_30 = tpu.memref_slice %arg16[%mul3A_0, %dma_wait3A] : memref<10240x8xf32, #tpu.memory_space<vmem_shared>> -> memref<640x8xf32, #tpu.memory_space<vmem_shared>>
      tpu.wait_dma2 semaphore(%run_scoped3A : memref<!tpu.dma_semaphore, #tpu.memory_space<semaphore_mem>>) src(%arg6 : memref<640x8xf32, #tpu.memory_space<hbm>>) dst(%dma_wait3A_30 : memref<640x8xf32, #tpu.memory_space<vmem_shared>>)
      tpu.yield
    }) : () -> ()
    %barrier3A = arith.constant 0 : index
    tpu.barrier barrier_id(%barrier3A)
    "tpu.region"() ({
      %run_scoped3A = tpu.sem_alloc : memref<!tpu.dma_semaphore, #tpu.memory_space<semaphore_mem>>
      %dma_start3A_28 = arith.constant 0 : i32
      %dma_start3A_29 = arith.constant 0 : i32
      %dma_start3A_30 = tpu.memref_slice %arg3[%arg1, %dma_start3A_28, %dma_start3A_29] : memref<16x160x128xi32, #tpu.memory_space<hbm>> -> memref<1x160x128xi32, #tpu.memory_space<hbm>>
      %dma_start3A_31 = tpu.memref_squeeze %dma_start3A_30 : memref<1x160x128xi32, #tpu.memory_space<hbm>> -> memref<160x128xi32, #tpu.memory_space<hbm>>
      %dma_start3A_32 = arith.constant 0 : i32
      %dma_start3A_33 = arith.constant 0 : i32
      %dma_start3A_34 = tpu.memref_slice %arg3[%arg1, %dma_start3A_32, %dma_start3A_33] : memref<16x160x128xi32, #tpu.memory_space<hbm>> -> memref<1x160x128xi32, #tpu.memory_space<hbm>>
      %dma_start3A_35 = tpu.memref_squeeze %dma_start3A_34 : memref<1x160x128xi32, #tpu.memory_space<hbm>> -> memref<160x128xi32, #tpu.memory_space<hbm>>
      tpu.enqueue_dma source(%dma_start3A_35 : memref<160x128xi32, #tpu.memory_space<hbm>>) target(%arg10 : memref<160x128xi32, #tpu.memory_space<vmem>>) target_semaphore(%run_scoped3A : memref<!tpu.dma_semaphore, #tpu.memory_space<semaphore_mem>>)
      %dma_wait3A = arith.constant 0 : i32
      %dma_wait3A_36 = arith.constant 0 : i32
      %dma_wait3A_37 = tpu.memref_slice %arg3[%arg1, %dma_wait3A, %dma_wait3A_36] : memref<16x160x128xi32, #tpu.memory_space<hbm>> -> memref<1x160x128xi32, #tpu.memory_space<hbm>>
      %dma_wait3A_38 = tpu.memref_squeeze %dma_wait3A_37 : memref<1x160x128xi32, #tpu.memory_space<hbm>> -> memref<160x128xi32, #tpu.memory_space<hbm>>
      %dma_wait3A_39 = arith.constant 0 : i32
      %dma_wait3A_40 = arith.constant 0 : i32
      %dma_wait3A_41 = tpu.memref_slice %arg3[%arg1, %dma_wait3A_39, %dma_wait3A_40] : memref<16x160x128xi32, #tpu.memory_space<hbm>> -> memref<1x160x128xi32, #tpu.memory_space<hbm>>
      %dma_wait3A_42 = tpu.memref_squeeze %dma_wait3A_41 : memref<1x160x128xi32, #tpu.memory_space<hbm>> -> memref<160x128xi32, #tpu.memory_space<hbm>>
      tpu.wait_dma2 semaphore(%run_scoped3A : memref<!tpu.dma_semaphore, #tpu.memory_space<semaphore_mem>>) src(%dma_wait3A_42 : memref<160x128xi32, #tpu.memory_space<hbm>>) dst(%arg10 : memref<160x128xi32, #tpu.memory_space<vmem>>)
      tpu.yield
    }) : () -> ()
    "tpu.region"() ({
      %run_scoped3A = tpu.sem_alloc : memref<!tpu.dma_semaphore, #tpu.memory_space<semaphore_mem>>
      %dma_start3A_28 = arith.constant 0 : i32
      %dma_start3A_29 = arith.constant 0 : i32
      %dma_start3A_30 = tpu.memref_slice %arg4[%arg1, %dma_start3A_28, %dma_start3A_29] : memref<16x160x128xi32, #tpu.memory_space<hbm>> -> memref<1x160x128xi32, #tpu.memory_space<hbm>>
      %dma_start3A_31 = tpu.memref_squeeze %dma_start3A_30 : memref<1x160x128xi32, #tpu.memory_space<hbm>> -> memref<160x128xi32, #tpu.memory_space<hbm>>
      %dma_start3A_32 = arith.constant 0 : i32
      %dma_start3A_33 = arith.constant 0 : i32
      %dma_start3A_34 = tpu.memref_slice %arg4[%arg1, %dma_start3A_32, %dma_start3A_33] : memref<16x160x128xi32, #tpu.memory_space<hbm>> -> memref<1x160x128xi32, #tpu.memory_space<hbm>>
      %dma_start3A_35 = tpu.memref_squeeze %dma_start3A_34 : memref<1x160x128xi32, #tpu.memory_space<hbm>> -> memref<160x128xi32, #tpu.memory_space<hbm>>
      tpu.enqueue_dma source(%dma_start3A_35 : memref<160x128xi32, #tpu.memory_space<hbm>>) target(%arg11 : memref<160x128xi32, #tpu.memory_space<vmem>>) target_semaphore(%run_scoped3A : memref<!tpu.dma_semaphore, #tpu.memory_space<semaphore_mem>>)
      %dma_wait3A = arith.constant 0 : i32
      %dma_wait3A_36 = arith.constant 0 : i32
      %dma_wait3A_37 = tpu.memref_slice %arg4[%arg1, %dma_wait3A, %dma_wait3A_36] : memref<16x160x128xi32, #tpu.memory_space<hbm>> -> memref<1x160x128xi32, #tpu.memory_space<hbm>>
      %dma_wait3A_38 = tpu.memref_squeeze %dma_wait3A_37 : memref<1x160x128xi32, #tpu.memory_space<hbm>> -> memref<160x128xi32, #tpu.memory_space<hbm>>
      %dma_wait3A_39 = arith.constant 0 : i32
      %dma_wait3A_40 = arith.constant 0 : i32
      %dma_wait3A_41 = tpu.memref_slice %arg4[%arg1, %dma_wait3A_39, %dma_wait3A_40] : memref<16x160x128xi32, #tpu.memory_space<hbm>> -> memref<1x160x128xi32, #tpu.memory_space<hbm>>
      %dma_wait3A_42 = tpu.memref_squeeze %dma_wait3A_41 : memref<1x160x128xi32, #tpu.memory_space<hbm>> -> memref<160x128xi32, #tpu.memory_space<hbm>>
      tpu.wait_dma2 semaphore(%run_scoped3A : memref<!tpu.dma_semaphore, #tpu.memory_space<semaphore_mem>>) src(%dma_wait3A_42 : memref<160x128xi32, #tpu.memory_space<hbm>>) dst(%arg11 : memref<160x128xi32, #tpu.memory_space<vmem>>)
      tpu.yield
    }) : () -> ()
    %dma_start3A = arith.constant 0 : i32
    %dma_start3A_1 = arith.constant 0 : i32
    %dma_start3A_2 = tpu.memref_slice %arg10[%dma_start3A, %dma_start3A_1] : memref<160x128xi32, #tpu.memory_space<vmem>> -> memref<1x128xi32, #tpu.memory_space<vmem>>
    %dma_start3A_3 = tpu.memref_squeeze %dma_start3A_2 : memref<1x128xi32, #tpu.memory_space<vmem>> -> memref<128xi32, #tpu.memory_space<vmem>>
    %dma_start3A_4 = arith.constant 0 : i32
    %dma_start3A_5 = arith.constant 0 : i32
    %dma_start3A_6 = tpu.memref_slice %arg2[%arg0, %dma_start3A_4, %dma_start3A_5] : memref<2x10240x64xf32, #tpu.memory_space<hbm>> -> memref<1x10240x64xf32, #tpu.memory_space<hbm>>
    %dma_start3A_7 = tpu.memref_squeeze %dma_start3A_6 : memref<1x10240x64xf32, #tpu.memory_space<hbm>> -> memref<10240x64xf32, #tpu.memory_space<hbm>>
    %dma_start3A_8 = arith.constant 0 : i32
    %dma_start3A_9 = arith.constant 0 : i32
    %dma_start3A_10 = tpu.memref_slice %dma_start3A_7[%dma_start3A_8, %dma_start3A_9] : memref<10240x64xf32, #tpu.memory_space<hbm>> -> memref<10240x64xf32, #tpu.memory_space<hbm>>
    tpu.enqueue_indirect_dma source(%dma_start3A_10 : memref<10240x64xf32, #tpu.memory_space<hbm>>) target(%arg12 : memref<128x64xf32, #tpu.memory_space<vmem>>) offsets(%dma_start3A_3 : memref<128xi32, #tpu.memory_space<vmem>>) semaphore(%arg17 : memref<!tpu.dma_semaphore, #tpu.memory_space<semaphore_mem>>)
    %dma_start3A_11 = arith.constant 1 : i32
    %dma_start3A_12 = arith.constant 0 : i32
    %dma_start3A_13 = tpu.memref_slice %arg10[%dma_start3A_11, %dma_start3A_12] : memref<160x128xi32, #tpu.memory_space<vmem>> -> memref<1x128xi32, #tpu.memory_space<vmem>>
    %dma_start3A_14 = tpu.memref_squeeze %dma_start3A_13 : memref<1x128xi32, #tpu.memory_space<vmem>> -> memref<128xi32, #tpu.memory_space<vmem>>
    %dma_start3A_15 = arith.constant 0 : i32
    %dma_start3A_16 = arith.constant 0 : i32
    %dma_start3A_17 = tpu.memref_slice %arg2[%arg0, %dma_start3A_15, %dma_start3A_16] : memref<2x10240x64xf32, #tpu.memory_space<hbm>> -> memref<1x10240x64xf32, #tpu.memory_space<hbm>>
    %dma_start3A_18 = tpu.memref_squeeze %dma_start3A_17 : memref<1x10240x64xf32, #tpu.memory_space<hbm>> -> memref<10240x64xf32, #tpu.memory_space<hbm>>
    %dma_start3A_19 = arith.constant 0 : i32
    %dma_start3A_20 = arith.constant 0 : i32
    %dma_start3A_21 = tpu.memref_slice %dma_start3A_18[%dma_start3A_19, %dma_start3A_20] : memref<10240x64xf32, #tpu.memory_space<hbm>> -> memref<10240x64xf32, #tpu.memory_space<hbm>>
    tpu.enqueue_indirect_dma source(%dma_start3A_21 : memref<10240x64xf32, #tpu.memory_space<hbm>>) target(%arg13 : memref<128x64xf32, #tpu.memory_space<vmem>>) offsets(%dma_start3A_14 : memref<128xi32, #tpu.memory_space<vmem>>) semaphore(%arg18 : memref<!tpu.dma_semaphore, #tpu.memory_space<semaphore_mem>>)
    %scan3A = arith.constant 0 : i32
    %scan3A_22 = arith.constant 0 : i32
    %scan3A_23 = arith.constant 80 : i32
    %scan3A_24 = arith.addi %scan3A_22, %scan3A_23 : i32
    %scan3A_25 = arith.constant 1 : i32
    scf.for %scan3A_28 = %scan3A_22 to %scan3A_24 step %scan3A_25  : i32 {
      %mul3A_29 = arith.constant 2 : i32
      %mul3A_30 = arith.muli %mul3A_29, %scan3A_28 : i32
      %add3A = arith.constant 0 : i32
      %add3A_31 = arith.addi %mul3A_30, %add3A : i32
      %dma_wait3A = arith.constant 0 : i32
      %dma_wait3A_32 = tpu.memref_slice %arg10[%add3A_31, %dma_wait3A] : memref<160x128xi32, #tpu.memory_space<vmem>> -> memref<1x128xi32, #tpu.memory_space<vmem>>
      %dma_wait3A_33 = tpu.memref_squeeze %dma_wait3A_32 : memref<1x128xi32, #tpu.memory_space<vmem>> -> memref<128xi32, #tpu.memory_space<vmem>>
      %dma_wait3A_34 = arith.constant 0 : i32
      %dma_wait3A_35 = arith.constant 0 : i32
      %dma_wait3A_36 = tpu.memref_slice %arg2[%arg0, %dma_wait3A_34, %dma_wait3A_35] : memref<2x10240x64xf32, #tpu.memory_space<hbm>> -> memref<1x10240x64xf32, #tpu.memory_space<hbm>>
      %dma_wait3A_37 = tpu.memref_squeeze %dma_wait3A_36 : memref<1x10240x64xf32, #tpu.memory_space<hbm>> -> memref<10240x64xf32, #tpu.memory_space<hbm>>
      %dma_wait3A_38 = arith.constant 0 : i32
      %dma_wait3A_39 = arith.constant 0 : i32
      %dma_wait3A_40 = tpu.memref_slice %dma_wait3A_37[%dma_wait3A_38, %dma_wait3A_39] : memref<10240x64xf32, #tpu.memory_space<hbm>> -> memref<10240x64xf32, #tpu.memory_space<hbm>>
      tpu.wait_indirect_dma semaphore(%arg17 : memref<!tpu.dma_semaphore, #tpu.memory_space<semaphore_mem>>) src(%dma_wait3A_40 : memref<10240x64xf32, #tpu.memory_space<hbm>>) dst(%arg12 : memref<128x64xf32, #tpu.memory_space<vmem>>)
      %add3A_41 = arith.constant 0 : i32
      %add3A_42 = arith.addi %mul3A_30, %add3A_41 : i32
      "tpu.region"() ({
        %run_scoped3A = tpu.sem_alloc : memref<!tpu.dma_semaphore, #tpu.memory_space<semaphore_mem>>
        %dma_start3A_81 = arith.constant 0 : i32
        %dma_start3A_82 = tpu.memref_slice %arg11[%add3A_42, %dma_start3A_81] : memref<160x128xi32, #tpu.memory_space<vmem>> -> memref<1x128xi32, #tpu.memory_space<vmem>>
        %dma_start3A_83 = tpu.memref_squeeze %dma_start3A_82 : memref<1x128xi32, #tpu.memory_space<vmem>> -> memref<128xi32, #tpu.memory_space<vmem>>
        %dma_start3A_84 = arith.constant 0 : i32
        %dma_start3A_85 = arith.constant 0 : i32
        %dma_start3A_86 = tpu.memref_slice %arg15[%dma_start3A_84, %dma_start3A_85] : memref<10240x64xf32, #tpu.memory_space<vmem_shared>> -> memref<10240x64xf32, #tpu.memory_space<vmem_shared>>
        tpu.enqueue_indirect_dma source(%arg12 : memref<128x64xf32, #tpu.memory_space<vmem>>) target(%dma_start3A_86 : memref<10240x64xf32, #tpu.memory_space<vmem_shared>>) offsets(%dma_start3A_83 : memref<128xi32, #tpu.memory_space<vmem>>) semaphore(%run_scoped3A : memref<!tpu.dma_semaphore, #tpu.memory_space<semaphore_mem>>) {add = true}
        %dma_wait3A_87 = arith.constant 0 : i32
        %dma_wait3A_88 = tpu.memref_slice %arg11[%add3A_42, %dma_wait3A_87] : memref<160x128xi32, #tpu.memory_space<vmem>> -> memref<1x128xi32, #tpu.memory_space<vmem>>
        %dma_wait3A_89 = tpu.memref_squeeze %dma_wait3A_88 : memref<1x128xi32, #tpu.memory_space<vmem>> -> memref<128xi32, #tpu.memory_space<vmem>>
        %dma_wait3A_90 = arith.constant 0 : i32
        %dma_wait3A_91 = arith.constant 0 : i32
        %dma_wait3A_92 = tpu.memref_slice %arg15[%dma_wait3A_90, %dma_wait3A_91] : memref<10240x64xf32, #tpu.memory_space<vmem_shared>> -> memref<10240x64xf32, #tpu.memory_space<vmem_shared>>
        tpu.wait_indirect_dma semaphore(%run_scoped3A : memref<!tpu.dma_semaphore, #tpu.memory_space<semaphore_mem>>) src(%arg12 : memref<128x64xf32, #tpu.memory_space<vmem>>) dst(%dma_wait3A_92 : memref<10240x64xf32, #tpu.memory_space<vmem_shared>>)
        tpu.yield
      }) : () -> ()
      %eq3A = arith.constant 0 : i32
      %eq3A_43 = arith.cmpi eq, %arg0, %eq3A : i32
      %convert_element_type3A = arith.extui %eq3A_43 : i1 to i32
      %cond3A = arith.constant 0 : i32
      %cond3A_44 = arith.cmpi ne, %convert_element_type3A, %cond3A : i32
      scf.if %cond3A_44 {
        %add3A_81 = arith.constant 0 : i32
        %add3A_82 = arith.addi %mul3A_30, %add3A_81 : i32
        "tpu.region"() ({
          %run_scoped3A = tpu.sem_alloc : memref<!tpu.dma_semaphore, #tpu.memory_space<semaphore_mem>>
          %dma_start3A_83 = arith.constant 0 : i32
          %dma_start3A_84 = tpu.memref_slice %arg11[%add3A_82, %dma_start3A_83] : memref<160x128xi32, #tpu.memory_space<vmem>> -> memref<1x128xi32, #tpu.memory_space<vmem>>
          %dma_start3A_85 = tpu.memref_squeeze %dma_start3A_84 : memref<1x128xi32, #tpu.memory_space<vmem>> -> memref<128xi32, #tpu.memory_space<vmem>>
          %dma_start3A_86 = arith.constant 0 : i32
          %dma_start3A_87 = arith.constant 0 : i32
          %dma_start3A_88 = tpu.memref_slice %arg16[%dma_start3A_86, %dma_start3A_87] : memref<10240x8xf32, #tpu.memory_space<vmem_shared>> -> memref<10240x8xf32, #tpu.memory_space<vmem_shared>>
          tpu.enqueue_indirect_dma source(%arg14 : memref<128x8xf32, #tpu.memory_space<vmem>>) target(%dma_start3A_88 : memref<10240x8xf32, #tpu.memory_space<vmem_shared>>) offsets(%dma_start3A_85 : memref<128xi32, #tpu.memory_space<vmem>>) semaphore(%run_scoped3A : memref<!tpu.dma_semaphore, #tpu.memory_space<semaphore_mem>>) {add = true}
          %dma_wait3A_89 = arith.constant 0 : i32
          %dma_wait3A_90 = tpu.memref_slice %arg11[%add3A_82, %dma_wait3A_89] : memref<160x128xi32, #tpu.memory_space<vmem>> -> memref<1x128xi32, #tpu.memory_space<vmem>>
          %dma_wait3A_91 = tpu.memref_squeeze %dma_wait3A_90 : memref<1x128xi32, #tpu.memory_space<vmem>> -> memref<128xi32, #tpu.memory_space<vmem>>
          %dma_wait3A_92 = arith.constant 0 : i32
          %dma_wait3A_93 = arith.constant 0 : i32
          %dma_wait3A_94 = tpu.memref_slice %arg16[%dma_wait3A_92, %dma_wait3A_93] : memref<10240x8xf32, #tpu.memory_space<vmem_shared>> -> memref<10240x8xf32, #tpu.memory_space<vmem_shared>>
          tpu.wait_indirect_dma semaphore(%run_scoped3A : memref<!tpu.dma_semaphore, #tpu.memory_space<semaphore_mem>>) src(%arg14 : memref<128x8xf32, #tpu.memory_space<vmem>>) dst(%dma_wait3A_94 : memref<10240x8xf32, #tpu.memory_space<vmem_shared>>)
          tpu.yield
        }) : () -> ()
      } else {
      }
      %add3A_45 = arith.constant 0 : i32
      %add3A_46 = arith.addi %mul3A_30, %add3A_45 : i32
      %add3A_47 = arith.constant 2 : i32
      %add3A_48 = arith.addi %add3A_46, %add3A_47 : i32
      %lt3A = arith.constant 160 : i32
      %lt3A_49 = arith.cmpi slt, %add3A_48, %lt3A : i32
      %convert_element_type3A_50 = arith.extui %lt3A_49 : i1 to i32
      %cond3A_51 = arith.constant 0 : i32
      %cond3A_52 = arith.cmpi ne, %convert_element_type3A_50, %cond3A_51 : i32
      scf.if %cond3A_52 {
        %add3A_81 = arith.constant 0 : i32
        %add3A_82 = arith.addi %mul3A_30, %add3A_81 : i32
        %add3A_83 = arith.constant 2 : i32
        %add3A_84 = arith.addi %add3A_82, %add3A_83 : i32
        %dma_start3A_85 = arith.constant 0 : i32
        %dma_start3A_86 = tpu.memref_slice %arg10[%add3A_84, %dma_start3A_85] : memref<160x128xi32, #tpu.memory_space<vmem>> -> memref<1x128xi32, #tpu.memory_space<vmem>>
        %dma_start3A_87 = tpu.memref_squeeze %dma_start3A_86 : memref<1x128xi32, #tpu.memory_space<vmem>> -> memref<128xi32, #tpu.memory_space<vmem>>
        %dma_start3A_88 = arith.constant 0 : i32
        %dma_start3A_89 = arith.constant 0 : i32
        %dma_start3A_90 = tpu.memref_slice %arg2[%arg0, %dma_start3A_88, %dma_start3A_89] : memref<2x10240x64xf32, #tpu.memory_space<hbm>> -> memref<1x10240x64xf32, #tpu.memory_space<hbm>>
        %dma_start3A_91 = tpu.memref_squeeze %dma_start3A_90 : memref<1x10240x64xf32, #tpu.memory_space<hbm>> -> memref<10240x64xf32, #tpu.memory_space<hbm>>
        %dma_start3A_92 = arith.constant 0 : i32
        %dma_start3A_93 = arith.constant 0 : i32
        %dma_start3A_94 = tpu.memref_slice %dma_start3A_91[%dma_start3A_92, %dma_start3A_93] : memref<10240x64xf32, #tpu.memory_space<hbm>> -> memref<10240x64xf32, #tpu.memory_space<hbm>>
        tpu.enqueue_indirect_dma source(%dma_start3A_94 : memref<10240x64xf32, #tpu.memory_space<hbm>>) target(%arg12 : memref<128x64xf32, #tpu.memory_space<vmem>>) offsets(%dma_start3A_87 : memref<128xi32, #tpu.memory_space<vmem>>) semaphore(%arg17 : memref<!tpu.dma_semaphore, #tpu.memory_space<semaphore_mem>>)
      } else {
      }
      %add3A_53 = arith.constant 1 : i32
      %add3A_54 = arith.addi %mul3A_30, %add3A_53 : i32
      %dma_wait3A_55 = arith.constant 0 : i32
      %dma_wait3A_56 = tpu.memref_slice %arg10[%add3A_54, %dma_wait3A_55] : memref<160x128xi32, #tpu.memory_space<vmem>> -> memref<1x128xi32, #tpu.memory_space<vmem>>
      %dma_wait3A_57 = tpu.memref_squeeze %dma_wait3A_56 : memref<1x128xi32, #tpu.memory_space<vmem>> -> memref<128xi32, #tpu.memory_space<vmem>>
      %dma_wait3A_58 = arith.constant 0 : i32
      %dma_wait3A_59 = arith.constant 0 : i32
      %dma_wait3A_60 = tpu.memref_slice %arg2[%arg0, %dma_wait3A_58, %dma_wait3A_59] : memref<2x10240x64xf32, #tpu.memory_space<hbm>> -> memref<1x10240x64xf32, #tpu.memory_space<hbm>>
      %dma_wait3A_61 = tpu.memref_squeeze %dma_wait3A_60 : memref<1x10240x64xf32, #tpu.memory_space<hbm>> -> memref<10240x64xf32, #tpu.memory_space<hbm>>
      %dma_wait3A_62 = arith.constant 0 : i32
      %dma_wait3A_63 = arith.constant 0 : i32
      %dma_wait3A_64 = tpu.memref_slice %dma_wait3A_61[%dma_wait3A_62, %dma_wait3A_63] : memref<10240x64xf32, #tpu.memory_space<hbm>> -> memref<10240x64xf32, #tpu.memory_space<hbm>>
      tpu.wait_indirect_dma semaphore(%arg18 : memref<!tpu.dma_semaphore, #tpu.memory_space<semaphore_mem>>) src(%dma_wait3A_64 : memref<10240x64xf32, #tpu.memory_space<hbm>>) dst(%arg13 : memref<128x64xf32, #tpu.memory_space<vmem>>)
      %add3A_65 = arith.constant 1 : i32
      %add3A_66 = arith.addi %mul3A_30, %add3A_65 : i32
      "tpu.region"() ({
        %run_scoped3A = tpu.sem_alloc : memref<!tpu.dma_semaphore, #tpu.memory_space<semaphore_mem>>
        %dma_start3A_81 = arith.constant 0 : i32
        %dma_start3A_82 = tpu.memref_slice %arg11[%add3A_66, %dma_start3A_81] : memref<160x128xi32, #tpu.memory_space<vmem>> -> memref<1x128xi32, #tpu.memory_space<vmem>>
        %dma_start3A_83 = tpu.memref_squeeze %dma_start3A_82 : memref<1x128xi32, #tpu.memory_space<vmem>> -> memref<128xi32, #tpu.memory_space<vmem>>
        %dma_start3A_84 = arith.constant 0 : i32
        %dma_start3A_85 = arith.constant 0 : i32
        %dma_start3A_86 = tpu.memref_slice %arg15[%dma_start3A_84, %dma_start3A_85] : memref<10240x64xf32, #tpu.memory_space<vmem_shared>> -> memref<10240x64xf32, #tpu.memory_space<vmem_shared>>
        tpu.enqueue_indirect_dma source(%arg13 : memref<128x64xf32, #tpu.memory_space<vmem>>) target(%dma_start3A_86 : memref<10240x64xf32, #tpu.memory_space<vmem_shared>>) offsets(%dma_start3A_83 : memref<128xi32, #tpu.memory_space<vmem>>) semaphore(%run_scoped3A : memref<!tpu.dma_semaphore, #tpu.memory_space<semaphore_mem>>) {add = true}
        %dma_wait3A_87 = arith.constant 0 : i32
        %dma_wait3A_88 = tpu.memref_slice %arg11[%add3A_66, %dma_wait3A_87] : memref<160x128xi32, #tpu.memory_space<vmem>> -> memref<1x128xi32, #tpu.memory_space<vmem>>
        %dma_wait3A_89 = tpu.memref_squeeze %dma_wait3A_88 : memref<1x128xi32, #tpu.memory_space<vmem>> -> memref<128xi32, #tpu.memory_space<vmem>>
        %dma_wait3A_90 = arith.constant 0 : i32
        %dma_wait3A_91 = arith.constant 0 : i32
        %dma_wait3A_92 = tpu.memref_slice %arg15[%dma_wait3A_90, %dma_wait3A_91] : memref<10240x64xf32, #tpu.memory_space<vmem_shared>> -> memref<10240x64xf32, #tpu.memory_space<vmem_shared>>
        tpu.wait_indirect_dma semaphore(%run_scoped3A : memref<!tpu.dma_semaphore, #tpu.memory_space<semaphore_mem>>) src(%arg13 : memref<128x64xf32, #tpu.memory_space<vmem>>) dst(%dma_wait3A_92 : memref<10240x64xf32, #tpu.memory_space<vmem_shared>>)
        tpu.yield
      }) : () -> ()
      %eq3A_67 = arith.constant 1 : i32
      %eq3A_68 = arith.cmpi eq, %arg0, %eq3A_67 : i32
      %convert_element_type3A_69 = arith.extui %eq3A_68 : i1 to i32
      %cond3A_70 = arith.constant 0 : i32
      %cond3A_71 = arith.cmpi ne, %convert_element_type3A_69, %cond3A_70 : i32
      scf.if %cond3A_71 {
        %add3A_81 = arith.constant 1 : i32
        %add3A_82 = arith.addi %mul3A_30, %add3A_81 : i32
        "tpu.region"() ({
          %run_scoped3A = tpu.sem_alloc : memref<!tpu.dma_semaphore, #tpu.memory_space<semaphore_mem>>
          %dma_start3A_83 = arith.constant 0 : i32
          %dma_start3A_84 = tpu.memref_slice %arg11[%add3A_82, %dma_start3A_83] : memref<160x128xi32, #tpu.memory_space<vmem>> -> memref<1x128xi32, #tpu.memory_space<vmem>>
          %dma_start3A_85 = tpu.memref_squeeze %dma_start3A_84 : memref<1x128xi32, #tpu.memory_space<vmem>> -> memref<128xi32, #tpu.memory_space<vmem>>
          %dma_start3A_86 = arith.constant 0 : i32
          %dma_start3A_87 = arith.constant 0 : i32
          %dma_start3A_88 = tpu.memref_slice %arg16[%dma_start3A_86, %dma_start3A_87] : memref<10240x8xf32, #tpu.memory_space<vmem_shared>> -> memref<10240x8xf32, #tpu.memory_space<vmem_shared>>
          tpu.enqueue_indirect_dma source(%arg14 : memref<128x8xf32, #tpu.memory_space<vmem>>) target(%dma_start3A_88 : memref<10240x8xf32, #tpu.memory_space<vmem_shared>>) offsets(%dma_start3A_85 : memref<128xi32, #tpu.memory_space<vmem>>) semaphore(%run_scoped3A : memref<!tpu.dma_semaphore, #tpu.memory_space<semaphore_mem>>) {add = true}
          %dma_wait3A_89 = arith.constant 0 : i32
          %dma_wait3A_90 = tpu.memref_slice %arg11[%add3A_82, %dma_wait3A_89] : memref<160x128xi32, #tpu.memory_space<vmem>> -> memref<1x128xi32, #tpu.memory_space<vmem>>
          %dma_wait3A_91 = tpu.memref_squeeze %dma_wait3A_90 : memref<1x128xi32, #tpu.memory_space<vmem>> -> memref<128xi32, #tpu.memory_space<vmem>>
          %dma_wait3A_92 = arith.constant 0 : i32
          %dma_wait3A_93 = arith.constant 0 : i32
          %dma_wait3A_94 = tpu.memref_slice %arg16[%dma_wait3A_92, %dma_wait3A_93] : memref<10240x8xf32, #tpu.memory_space<vmem_shared>> -> memref<10240x8xf32, #tpu.memory_space<vmem_shared>>
          tpu.wait_indirect_dma semaphore(%run_scoped3A : memref<!tpu.dma_semaphore, #tpu.memory_space<semaphore_mem>>) src(%arg14 : memref<128x8xf32, #tpu.memory_space<vmem>>) dst(%dma_wait3A_94 : memref<10240x8xf32, #tpu.memory_space<vmem_shared>>)
          tpu.yield
        }) : () -> ()
      } else {
      }
      %add3A_72 = arith.constant 1 : i32
      %add3A_73 = arith.addi %mul3A_30, %add3A_72 : i32
      %add3A_74 = arith.constant 2 : i32
      %add3A_75 = arith.addi %add3A_73, %add3A_74 : i32
      %lt3A_76 = arith.constant 160 : i32
      %lt3A_77 = arith.cmpi slt, %add3A_75, %lt3A_76 : i32
      %convert_element_type3A_78 = arith.extui %lt3A_77 : i1 to i32
      %cond3A_79 = arith.constant 0 : i32
      %cond3A_80 = arith.cmpi ne, %convert_element_type3A_78, %cond3A_79 : i32
      scf.if %cond3A_80 {
        %add3A_81 = arith.constant 1 : i32
        %add3A_82 = arith.addi %mul3A_30, %add3A_81 : i32
        %add3A_83 = arith.constant 2 : i32
        %add3A_84 = arith.addi %add3A_82, %add3A_83 : i32
        %dma_start3A_85 = arith.constant 0 : i32
        %dma_start3A_86 = tpu.memref_slice %arg10[%add3A_84, %dma_start3A_85] : memref<160x128xi32, #tpu.memory_space<vmem>> -> memref<1x128xi32, #tpu.memory_space<vmem>>
        %dma_start3A_87 = tpu.memref_squeeze %dma_start3A_86 : memref<1x128xi32, #tpu.memory_space<vmem>> -> memref<128xi32, #tpu.memory_space<vmem>>
        %dma_start3A_88 = arith.constant 0 : i32
        %dma_start3A_89 = arith.constant 0 : i32
        %dma_start3A_90 = tpu.memref_slice %arg2[%arg0, %dma_start3A_88, %dma_start3A_89] : memref<2x10240x64xf32, #tpu.memory_space<hbm>> -> memref<1x10240x64xf32, #tpu.memory_space<hbm>>
        %dma_start3A_91 = tpu.memref_squeeze %dma_start3A_90 : memref<1x10240x64xf32, #tpu.memory_space<hbm>> -> memref<10240x64xf32, #tpu.memory_space<hbm>>
        %dma_start3A_92 = arith.constant 0 : i32
        %dma_start3A_93 = arith.constant 0 : i32
        %dma_start3A_94 = tpu.memref_slice %dma_start3A_91[%dma_start3A_92, %dma_start3A_93] : memref<10240x64xf32, #tpu.memory_space<hbm>> -> memref<10240x64xf32, #tpu.memory_space<hbm>>
        tpu.enqueue_indirect_dma source(%dma_start3A_94 : memref<10240x64xf32, #tpu.memory_space<hbm>>) target(%arg13 : memref<128x64xf32, #tpu.memory_space<vmem>>) offsets(%dma_start3A_87 : memref<128xi32, #tpu.memory_space<vmem>>) semaphore(%arg18 : memref<!tpu.dma_semaphore, #tpu.memory_space<semaphore_mem>>)
      } else {
      }
    }
    %scan3A_26 = arith.constant 80 : i32
    %barrier3A_27 = arith.constant 0 : index
    tpu.barrier barrier_id(%barrier3A_27)
    "tpu.region"() ({
      %run_scoped3A = tpu.sem_alloc : memref<!tpu.dma_semaphore, #tpu.memory_space<semaphore_mem>>
      %dma_start3A_28 = arith.constant 0 : i32
      %dma_start3A_29 = tpu.memref_slice %arg8[%arg0, %mul3A_0, %dma_start3A_28] : memref<2x10240x64xf32, #tpu.memory_space<hbm>> -> memref<1x640x64xf32, #tpu.memory_space<hbm>>
      %dma_start3A_30 = tpu.memref_squeeze %dma_start3A_29 : memref<1x640x64xf32, #tpu.memory_space<hbm>> -> memref<640x64xf32, #tpu.memory_space<hbm>>
      %dma_start3A_31 = arith.constant 0 : i32
      %dma_start3A_32 = tpu.memref_slice %arg15[%mul3A_0, %dma_start3A_31] : memref<10240x64xf32, #tpu.memory_space<vmem_shared>> -> memref<640x64xf32, #tpu.memory_space<vmem_shared>>
      tpu.enqueue_dma source(%dma_start3A_32 : memref<640x64xf32, #tpu.memory_space<vmem_shared>>) target(%dma_start3A_30 : memref<640x64xf32, #tpu.memory_space<hbm>>) target_semaphore(%run_scoped3A : memref<!tpu.dma_semaphore, #tpu.memory_space<semaphore_mem>>)
      %dma_wait3A = arith.constant 0 : i32
      %dma_wait3A_33 = tpu.memref_slice %arg8[%arg0, %mul3A_0, %dma_wait3A] : memref<2x10240x64xf32, #tpu.memory_space<hbm>> -> memref<1x640x64xf32, #tpu.memory_space<hbm>>
      %dma_wait3A_34 = tpu.memref_squeeze %dma_wait3A_33 : memref<1x640x64xf32, #tpu.memory_space<hbm>> -> memref<640x64xf32, #tpu.memory_space<hbm>>
      %dma_wait3A_35 = arith.constant 0 : i32
      %dma_wait3A_36 = tpu.memref_slice %arg15[%mul3A_0, %dma_wait3A_35] : memref<10240x64xf32, #tpu.memory_space<vmem_shared>> -> memref<640x64xf32, #tpu.memory_space<vmem_shared>>
      tpu.wait_dma2 semaphore(%run_scoped3A : memref<!tpu.dma_semaphore, #tpu.memory_space<semaphore_mem>>) src(%dma_wait3A_36 : memref<640x64xf32, #tpu.memory_space<vmem_shared>>) dst(%dma_wait3A_34 : memref<640x64xf32, #tpu.memory_space<hbm>>)
      tpu.yield
    }) : () -> ()
    "tpu.region"() ({
      %run_scoped3A = tpu.sem_alloc : memref<!tpu.dma_semaphore, #tpu.memory_space<semaphore_mem>>
      %dma_start3A_28 = arith.constant 0 : i32
      %dma_start3A_29 = tpu.memref_slice %arg9[%arg0, %mul3A_0, %dma_start3A_28] : memref<2x10240x8xf32, #tpu.memory_space<hbm>> -> memref<1x640x8xf32, #tpu.memory_space<hbm>>
      %dma_start3A_30 = tpu.memref_squeeze %dma_start3A_29 : memref<1x640x8xf32, #tpu.memory_space<hbm>> -> memref<640x8xf32, #tpu.memory_space<hbm>>
      %dma_start3A_31 = arith.constant 0 : i32
      %dma_start3A_32 = tpu.memref_slice %arg16[%mul3A_0, %dma_start3A_31] : memref<10240x8xf32, #tpu.memory_space<vmem_shared>> -> memref<640x8xf32, #tpu.memory_space<vmem_shared>>
      tpu.enqueue_dma source(%dma_start3A_32 : memref<640x8xf32, #tpu.memory_space<vmem_shared>>) target(%dma_start3A_30 : memref<640x8xf32, #tpu.memory_space<hbm>>) target_semaphore(%run_scoped3A : memref<!tpu.dma_semaphore, #tpu.memory_space<semaphore_mem>>)
      %dma_wait3A = arith.constant 0 : i32
      %dma_wait3A_33 = tpu.memref_slice %arg9[%arg0, %mul3A_0, %dma_wait3A] : memref<2x10240x8xf32, #tpu.memory_space<hbm>> -> memref<1x640x8xf32, #tpu.memory_space<hbm>>
      %dma_wait3A_34 = tpu.memref_squeeze %dma_wait3A_33 : memref<1x640x8xf32, #tpu.memory_space<hbm>> -> memref<640x8xf32, #tpu.memory_space<hbm>>
      %dma_wait3A_35 = arith.constant 0 : i32
      %dma_wait3A_36 = tpu.memref_slice %arg16[%mul3A_0, %dma_wait3A_35] : memref<10240x8xf32, #tpu.memory_space<vmem_shared>> -> memref<640x8xf32, #tpu.memory_space<vmem_shared>>
      tpu.wait_dma2 semaphore(%run_scoped3A : memref<!tpu.dma_semaphore, #tpu.memory_space<semaphore_mem>>) src(%dma_wait3A_36 : memref<640x8xf32, #tpu.memory_space<vmem_shared>>) dst(%dma_wait3A_34 : memref<640x8xf32, #tpu.memory_space<hbm>>)
      tpu.yield
    }) : () -> ()
    return
  }
}

#map = affine_map<(d0, d1) -> (0, 0, 0)>
#map1 = affine_map<(d0, d1) -> (0, 0)>
module attributes {stable_mosaic.version = 14 : i64} {
  func.func @_sc_agg_body(%arg0: i32, %arg1: i32, %arg2: memref<2x10240x64xf32, #tpu.memory_space<hbm>>, %arg3: memref<16x160x128xi32, #tpu.memory_space<hbm>>, %arg4: memref<16x160x128xi32, #tpu.memory_space<hbm>>, %arg5: memref<640x64xf32, #tpu.memory_space<hbm>>, %arg6: memref<2x10240x64xf32, #tpu.memory_space<hbm>>, %arg7: memref<160x128xi32, #tpu.memory_space<vmem>>, %arg8: memref<160x128xi32, #tpu.memory_space<vmem>>, %arg9: memref<128x64xf32, #tpu.memory_space<vmem>>, %arg10: memref<128x64xf32, #tpu.memory_space<vmem>>, %arg11: memref<10240x64xf32, #tpu.memory_space<vmem_shared>>, %arg12: memref<!tpu.dma_semaphore, #tpu.memory_space<semaphore_mem>>, %arg13: memref<!tpu.dma_semaphore, #tpu.memory_space<semaphore_mem>>) attributes {dimension_semantics = [#tpu.dimension_semantics<core_parallel>, #tpu.dimension_semantics<subcore_parallel>], iteration_bounds = array<i64: 2, 16>, scalar_prefetch = 0 : i64, scratch_operands = 7 : i64, tpu.core_type = #tpu.core_type<sc_vector_subcore>, window_params = [{transform_indices = #map}, {transform_indices = #map}, {transform_indices = #map}, {transform_indices = #map1}, {transform_indices = #map}]} {
    %mul3A = arith.constant 640 : i32
    %mul3A_0 = arith.muli %arg1, %mul3A : i32
    "tpu.region"() ({
      %run_scoped3A = tpu.sem_alloc : memref<!tpu.dma_semaphore, #tpu.memory_space<semaphore_mem>>
      %dma_start3A_28 = arith.constant 0 : i32
      %dma_start3A_29 = tpu.memref_slice %arg11[%mul3A_0, %dma_start3A_28] : memref<10240x64xf32, #tpu.memory_space<vmem_shared>> -> memref<640x64xf32, #tpu.memory_space<vmem_shared>>
      tpu.enqueue_dma source(%arg5 : memref<640x64xf32, #tpu.memory_space<hbm>>) target(%dma_start3A_29 : memref<640x64xf32, #tpu.memory_space<vmem_shared>>) target_semaphore(%run_scoped3A : memref<!tpu.dma_semaphore, #tpu.memory_space<semaphore_mem>>)
      %dma_wait3A = arith.constant 0 : i32
      %dma_wait3A_30 = tpu.memref_slice %arg11[%mul3A_0, %dma_wait3A] : memref<10240x64xf32, #tpu.memory_space<vmem_shared>> -> memref<640x64xf32, #tpu.memory_space<vmem_shared>>
      tpu.wait_dma2 semaphore(%run_scoped3A : memref<!tpu.dma_semaphore, #tpu.memory_space<semaphore_mem>>) src(%arg5 : memref<640x64xf32, #tpu.memory_space<hbm>>) dst(%dma_wait3A_30 : memref<640x64xf32, #tpu.memory_space<vmem_shared>>)
      tpu.yield
    }) : () -> ()
    %barrier3A = arith.constant 0 : index
    tpu.barrier barrier_id(%barrier3A)
    "tpu.region"() ({
      %run_scoped3A = tpu.sem_alloc : memref<!tpu.dma_semaphore, #tpu.memory_space<semaphore_mem>>
      %dma_start3A_28 = arith.constant 0 : i32
      %dma_start3A_29 = arith.constant 0 : i32
      %dma_start3A_30 = tpu.memref_slice %arg3[%arg1, %dma_start3A_28, %dma_start3A_29] : memref<16x160x128xi32, #tpu.memory_space<hbm>> -> memref<1x160x128xi32, #tpu.memory_space<hbm>>
      %dma_start3A_31 = tpu.memref_squeeze %dma_start3A_30 : memref<1x160x128xi32, #tpu.memory_space<hbm>> -> memref<160x128xi32, #tpu.memory_space<hbm>>
      %dma_start3A_32 = arith.constant 0 : i32
      %dma_start3A_33 = arith.constant 0 : i32
      %dma_start3A_34 = tpu.memref_slice %arg3[%arg1, %dma_start3A_32, %dma_start3A_33] : memref<16x160x128xi32, #tpu.memory_space<hbm>> -> memref<1x160x128xi32, #tpu.memory_space<hbm>>
      %dma_start3A_35 = tpu.memref_squeeze %dma_start3A_34 : memref<1x160x128xi32, #tpu.memory_space<hbm>> -> memref<160x128xi32, #tpu.memory_space<hbm>>
      tpu.enqueue_dma source(%dma_start3A_35 : memref<160x128xi32, #tpu.memory_space<hbm>>) target(%arg7 : memref<160x128xi32, #tpu.memory_space<vmem>>) target_semaphore(%run_scoped3A : memref<!tpu.dma_semaphore, #tpu.memory_space<semaphore_mem>>)
      %dma_wait3A = arith.constant 0 : i32
      %dma_wait3A_36 = arith.constant 0 : i32
      %dma_wait3A_37 = tpu.memref_slice %arg3[%arg1, %dma_wait3A, %dma_wait3A_36] : memref<16x160x128xi32, #tpu.memory_space<hbm>> -> memref<1x160x128xi32, #tpu.memory_space<hbm>>
      %dma_wait3A_38 = tpu.memref_squeeze %dma_wait3A_37 : memref<1x160x128xi32, #tpu.memory_space<hbm>> -> memref<160x128xi32, #tpu.memory_space<hbm>>
      %dma_wait3A_39 = arith.constant 0 : i32
      %dma_wait3A_40 = arith.constant 0 : i32
      %dma_wait3A_41 = tpu.memref_slice %arg3[%arg1, %dma_wait3A_39, %dma_wait3A_40] : memref<16x160x128xi32, #tpu.memory_space<hbm>> -> memref<1x160x128xi32, #tpu.memory_space<hbm>>
      %dma_wait3A_42 = tpu.memref_squeeze %dma_wait3A_41 : memref<1x160x128xi32, #tpu.memory_space<hbm>> -> memref<160x128xi32, #tpu.memory_space<hbm>>
      tpu.wait_dma2 semaphore(%run_scoped3A : memref<!tpu.dma_semaphore, #tpu.memory_space<semaphore_mem>>) src(%dma_wait3A_42 : memref<160x128xi32, #tpu.memory_space<hbm>>) dst(%arg7 : memref<160x128xi32, #tpu.memory_space<vmem>>)
      tpu.yield
    }) : () -> ()
    "tpu.region"() ({
      %run_scoped3A = tpu.sem_alloc : memref<!tpu.dma_semaphore, #tpu.memory_space<semaphore_mem>>
      %dma_start3A_28 = arith.constant 0 : i32
      %dma_start3A_29 = arith.constant 0 : i32
      %dma_start3A_30 = tpu.memref_slice %arg4[%arg1, %dma_start3A_28, %dma_start3A_29] : memref<16x160x128xi32, #tpu.memory_space<hbm>> -> memref<1x160x128xi32, #tpu.memory_space<hbm>>
      %dma_start3A_31 = tpu.memref_squeeze %dma_start3A_30 : memref<1x160x128xi32, #tpu.memory_space<hbm>> -> memref<160x128xi32, #tpu.memory_space<hbm>>
      %dma_start3A_32 = arith.constant 0 : i32
      %dma_start3A_33 = arith.constant 0 : i32
      %dma_start3A_34 = tpu.memref_slice %arg4[%arg1, %dma_start3A_32, %dma_start3A_33] : memref<16x160x128xi32, #tpu.memory_space<hbm>> -> memref<1x160x128xi32, #tpu.memory_space<hbm>>
      %dma_start3A_35 = tpu.memref_squeeze %dma_start3A_34 : memref<1x160x128xi32, #tpu.memory_space<hbm>> -> memref<160x128xi32, #tpu.memory_space<hbm>>
      tpu.enqueue_dma source(%dma_start3A_35 : memref<160x128xi32, #tpu.memory_space<hbm>>) target(%arg8 : memref<160x128xi32, #tpu.memory_space<vmem>>) target_semaphore(%run_scoped3A : memref<!tpu.dma_semaphore, #tpu.memory_space<semaphore_mem>>)
      %dma_wait3A = arith.constant 0 : i32
      %dma_wait3A_36 = arith.constant 0 : i32
      %dma_wait3A_37 = tpu.memref_slice %arg4[%arg1, %dma_wait3A, %dma_wait3A_36] : memref<16x160x128xi32, #tpu.memory_space<hbm>> -> memref<1x160x128xi32, #tpu.memory_space<hbm>>
      %dma_wait3A_38 = tpu.memref_squeeze %dma_wait3A_37 : memref<1x160x128xi32, #tpu.memory_space<hbm>> -> memref<160x128xi32, #tpu.memory_space<hbm>>
      %dma_wait3A_39 = arith.constant 0 : i32
      %dma_wait3A_40 = arith.constant 0 : i32
      %dma_wait3A_41 = tpu.memref_slice %arg4[%arg1, %dma_wait3A_39, %dma_wait3A_40] : memref<16x160x128xi32, #tpu.memory_space<hbm>> -> memref<1x160x128xi32, #tpu.memory_space<hbm>>
      %dma_wait3A_42 = tpu.memref_squeeze %dma_wait3A_41 : memref<1x160x128xi32, #tpu.memory_space<hbm>> -> memref<160x128xi32, #tpu.memory_space<hbm>>
      tpu.wait_dma2 semaphore(%run_scoped3A : memref<!tpu.dma_semaphore, #tpu.memory_space<semaphore_mem>>) src(%dma_wait3A_42 : memref<160x128xi32, #tpu.memory_space<hbm>>) dst(%arg8 : memref<160x128xi32, #tpu.memory_space<vmem>>)
      tpu.yield
    }) : () -> ()
    %dma_start3A = arith.constant 0 : i32
    %dma_start3A_1 = arith.constant 0 : i32
    %dma_start3A_2 = tpu.memref_slice %arg7[%dma_start3A, %dma_start3A_1] : memref<160x128xi32, #tpu.memory_space<vmem>> -> memref<1x128xi32, #tpu.memory_space<vmem>>
    %dma_start3A_3 = tpu.memref_squeeze %dma_start3A_2 : memref<1x128xi32, #tpu.memory_space<vmem>> -> memref<128xi32, #tpu.memory_space<vmem>>
    %dma_start3A_4 = arith.constant 0 : i32
    %dma_start3A_5 = arith.constant 0 : i32
    %dma_start3A_6 = tpu.memref_slice %arg2[%arg0, %dma_start3A_4, %dma_start3A_5] : memref<2x10240x64xf32, #tpu.memory_space<hbm>> -> memref<1x10240x64xf32, #tpu.memory_space<hbm>>
    %dma_start3A_7 = tpu.memref_squeeze %dma_start3A_6 : memref<1x10240x64xf32, #tpu.memory_space<hbm>> -> memref<10240x64xf32, #tpu.memory_space<hbm>>
    %dma_start3A_8 = arith.constant 0 : i32
    %dma_start3A_9 = arith.constant 0 : i32
    %dma_start3A_10 = tpu.memref_slice %dma_start3A_7[%dma_start3A_8, %dma_start3A_9] : memref<10240x64xf32, #tpu.memory_space<hbm>> -> memref<10240x64xf32, #tpu.memory_space<hbm>>
    tpu.enqueue_indirect_dma source(%dma_start3A_10 : memref<10240x64xf32, #tpu.memory_space<hbm>>) target(%arg9 : memref<128x64xf32, #tpu.memory_space<vmem>>) offsets(%dma_start3A_3 : memref<128xi32, #tpu.memory_space<vmem>>) semaphore(%arg12 : memref<!tpu.dma_semaphore, #tpu.memory_space<semaphore_mem>>)
    %dma_start3A_11 = arith.constant 1 : i32
    %dma_start3A_12 = arith.constant 0 : i32
    %dma_start3A_13 = tpu.memref_slice %arg7[%dma_start3A_11, %dma_start3A_12] : memref<160x128xi32, #tpu.memory_space<vmem>> -> memref<1x128xi32, #tpu.memory_space<vmem>>
    %dma_start3A_14 = tpu.memref_squeeze %dma_start3A_13 : memref<1x128xi32, #tpu.memory_space<vmem>> -> memref<128xi32, #tpu.memory_space<vmem>>
    %dma_start3A_15 = arith.constant 0 : i32
    %dma_start3A_16 = arith.constant 0 : i32
    %dma_start3A_17 = tpu.memref_slice %arg2[%arg0, %dma_start3A_15, %dma_start3A_16] : memref<2x10240x64xf32, #tpu.memory_space<hbm>> -> memref<1x10240x64xf32, #tpu.memory_space<hbm>>
    %dma_start3A_18 = tpu.memref_squeeze %dma_start3A_17 : memref<1x10240x64xf32, #tpu.memory_space<hbm>> -> memref<10240x64xf32, #tpu.memory_space<hbm>>
    %dma_start3A_19 = arith.constant 0 : i32
    %dma_start3A_20 = arith.constant 0 : i32
    %dma_start3A_21 = tpu.memref_slice %dma_start3A_18[%dma_start3A_19, %dma_start3A_20] : memref<10240x64xf32, #tpu.memory_space<hbm>> -> memref<10240x64xf32, #tpu.memory_space<hbm>>
    tpu.enqueue_indirect_dma source(%dma_start3A_21 : memref<10240x64xf32, #tpu.memory_space<hbm>>) target(%arg10 : memref<128x64xf32, #tpu.memory_space<vmem>>) offsets(%dma_start3A_14 : memref<128xi32, #tpu.memory_space<vmem>>) semaphore(%arg13 : memref<!tpu.dma_semaphore, #tpu.memory_space<semaphore_mem>>)
    %scan3A = arith.constant 0 : i32
    %scan3A_22 = arith.constant 0 : i32
    %scan3A_23 = arith.constant 80 : i32
    %scan3A_24 = arith.addi %scan3A_22, %scan3A_23 : i32
    %scan3A_25 = arith.constant 1 : i32
    scf.for %scan3A_28 = %scan3A_22 to %scan3A_24 step %scan3A_25  : i32 {
      %mul3A_29 = arith.constant 2 : i32
      %mul3A_30 = arith.muli %mul3A_29, %scan3A_28 : i32
      %add3A = arith.constant 0 : i32
      %add3A_31 = arith.addi %mul3A_30, %add3A : i32
      %dma_wait3A = arith.constant 0 : i32
      %dma_wait3A_32 = tpu.memref_slice %arg7[%add3A_31, %dma_wait3A] : memref<160x128xi32, #tpu.memory_space<vmem>> -> memref<1x128xi32, #tpu.memory_space<vmem>>
      %dma_wait3A_33 = tpu.memref_squeeze %dma_wait3A_32 : memref<1x128xi32, #tpu.memory_space<vmem>> -> memref<128xi32, #tpu.memory_space<vmem>>
      %dma_wait3A_34 = arith.constant 0 : i32
      %dma_wait3A_35 = arith.constant 0 : i32
      %dma_wait3A_36 = tpu.memref_slice %arg2[%arg0, %dma_wait3A_34, %dma_wait3A_35] : memref<2x10240x64xf32, #tpu.memory_space<hbm>> -> memref<1x10240x64xf32, #tpu.memory_space<hbm>>
      %dma_wait3A_37 = tpu.memref_squeeze %dma_wait3A_36 : memref<1x10240x64xf32, #tpu.memory_space<hbm>> -> memref<10240x64xf32, #tpu.memory_space<hbm>>
      %dma_wait3A_38 = arith.constant 0 : i32
      %dma_wait3A_39 = arith.constant 0 : i32
      %dma_wait3A_40 = tpu.memref_slice %dma_wait3A_37[%dma_wait3A_38, %dma_wait3A_39] : memref<10240x64xf32, #tpu.memory_space<hbm>> -> memref<10240x64xf32, #tpu.memory_space<hbm>>
      tpu.wait_indirect_dma semaphore(%arg12 : memref<!tpu.dma_semaphore, #tpu.memory_space<semaphore_mem>>) src(%dma_wait3A_40 : memref<10240x64xf32, #tpu.memory_space<hbm>>) dst(%arg9 : memref<128x64xf32, #tpu.memory_space<vmem>>)
      %add3A_41 = arith.constant 0 : i32
      %add3A_42 = arith.addi %mul3A_30, %add3A_41 : i32
      "tpu.region"() ({
        %run_scoped3A = tpu.sem_alloc : memref<!tpu.dma_semaphore, #tpu.memory_space<semaphore_mem>>
        %dma_start3A_72 = arith.constant 0 : i32
        %dma_start3A_73 = tpu.memref_slice %arg8[%add3A_42, %dma_start3A_72] : memref<160x128xi32, #tpu.memory_space<vmem>> -> memref<1x128xi32, #tpu.memory_space<vmem>>
        %dma_start3A_74 = tpu.memref_squeeze %dma_start3A_73 : memref<1x128xi32, #tpu.memory_space<vmem>> -> memref<128xi32, #tpu.memory_space<vmem>>
        %dma_start3A_75 = arith.constant 0 : i32
        %dma_start3A_76 = arith.constant 0 : i32
        %dma_start3A_77 = tpu.memref_slice %arg11[%dma_start3A_75, %dma_start3A_76] : memref<10240x64xf32, #tpu.memory_space<vmem_shared>> -> memref<10240x64xf32, #tpu.memory_space<vmem_shared>>
        tpu.enqueue_indirect_dma source(%arg9 : memref<128x64xf32, #tpu.memory_space<vmem>>) target(%dma_start3A_77 : memref<10240x64xf32, #tpu.memory_space<vmem_shared>>) offsets(%dma_start3A_74 : memref<128xi32, #tpu.memory_space<vmem>>) semaphore(%run_scoped3A : memref<!tpu.dma_semaphore, #tpu.memory_space<semaphore_mem>>) {add = true}
        %dma_wait3A_78 = arith.constant 0 : i32
        %dma_wait3A_79 = tpu.memref_slice %arg8[%add3A_42, %dma_wait3A_78] : memref<160x128xi32, #tpu.memory_space<vmem>> -> memref<1x128xi32, #tpu.memory_space<vmem>>
        %dma_wait3A_80 = tpu.memref_squeeze %dma_wait3A_79 : memref<1x128xi32, #tpu.memory_space<vmem>> -> memref<128xi32, #tpu.memory_space<vmem>>
        %dma_wait3A_81 = arith.constant 0 : i32
        %dma_wait3A_82 = arith.constant 0 : i32
        %dma_wait3A_83 = tpu.memref_slice %arg11[%dma_wait3A_81, %dma_wait3A_82] : memref<10240x64xf32, #tpu.memory_space<vmem_shared>> -> memref<10240x64xf32, #tpu.memory_space<vmem_shared>>
        tpu.wait_indirect_dma semaphore(%run_scoped3A : memref<!tpu.dma_semaphore, #tpu.memory_space<semaphore_mem>>) src(%arg9 : memref<128x64xf32, #tpu.memory_space<vmem>>) dst(%dma_wait3A_83 : memref<10240x64xf32, #tpu.memory_space<vmem_shared>>)
        tpu.yield
      }) : () -> ()
      %add3A_43 = arith.constant 0 : i32
      %add3A_44 = arith.addi %mul3A_30, %add3A_43 : i32
      %add3A_45 = arith.constant 2 : i32
      %add3A_46 = arith.addi %add3A_44, %add3A_45 : i32
      %lt3A = arith.constant 160 : i32
      %lt3A_47 = arith.cmpi slt, %add3A_46, %lt3A : i32
      %convert_element_type3A = arith.extui %lt3A_47 : i1 to i32
      %cond3A = arith.constant 0 : i32
      %cond3A_48 = arith.cmpi ne, %convert_element_type3A, %cond3A : i32
      scf.if %cond3A_48 {
        %add3A_72 = arith.constant 0 : i32
        %add3A_73 = arith.addi %mul3A_30, %add3A_72 : i32
        %add3A_74 = arith.constant 2 : i32
        %add3A_75 = arith.addi %add3A_73, %add3A_74 : i32
        %dma_start3A_76 = arith.constant 0 : i32
        %dma_start3A_77 = tpu.memref_slice %arg7[%add3A_75, %dma_start3A_76] : memref<160x128xi32, #tpu.memory_space<vmem>> -> memref<1x128xi32, #tpu.memory_space<vmem>>
        %dma_start3A_78 = tpu.memref_squeeze %dma_start3A_77 : memref<1x128xi32, #tpu.memory_space<vmem>> -> memref<128xi32, #tpu.memory_space<vmem>>
        %dma_start3A_79 = arith.constant 0 : i32
        %dma_start3A_80 = arith.constant 0 : i32
        %dma_start3A_81 = tpu.memref_slice %arg2[%arg0, %dma_start3A_79, %dma_start3A_80] : memref<2x10240x64xf32, #tpu.memory_space<hbm>> -> memref<1x10240x64xf32, #tpu.memory_space<hbm>>
        %dma_start3A_82 = tpu.memref_squeeze %dma_start3A_81 : memref<1x10240x64xf32, #tpu.memory_space<hbm>> -> memref<10240x64xf32, #tpu.memory_space<hbm>>
        %dma_start3A_83 = arith.constant 0 : i32
        %dma_start3A_84 = arith.constant 0 : i32
        %dma_start3A_85 = tpu.memref_slice %dma_start3A_82[%dma_start3A_83, %dma_start3A_84] : memref<10240x64xf32, #tpu.memory_space<hbm>> -> memref<10240x64xf32, #tpu.memory_space<hbm>>
        tpu.enqueue_indirect_dma source(%dma_start3A_85 : memref<10240x64xf32, #tpu.memory_space<hbm>>) target(%arg9 : memref<128x64xf32, #tpu.memory_space<vmem>>) offsets(%dma_start3A_78 : memref<128xi32, #tpu.memory_space<vmem>>) semaphore(%arg12 : memref<!tpu.dma_semaphore, #tpu.memory_space<semaphore_mem>>)
      } else {
      }
      %add3A_49 = arith.constant 1 : i32
      %add3A_50 = arith.addi %mul3A_30, %add3A_49 : i32
      %dma_wait3A_51 = arith.constant 0 : i32
      %dma_wait3A_52 = tpu.memref_slice %arg7[%add3A_50, %dma_wait3A_51] : memref<160x128xi32, #tpu.memory_space<vmem>> -> memref<1x128xi32, #tpu.memory_space<vmem>>
      %dma_wait3A_53 = tpu.memref_squeeze %dma_wait3A_52 : memref<1x128xi32, #tpu.memory_space<vmem>> -> memref<128xi32, #tpu.memory_space<vmem>>
      %dma_wait3A_54 = arith.constant 0 : i32
      %dma_wait3A_55 = arith.constant 0 : i32
      %dma_wait3A_56 = tpu.memref_slice %arg2[%arg0, %dma_wait3A_54, %dma_wait3A_55] : memref<2x10240x64xf32, #tpu.memory_space<hbm>> -> memref<1x10240x64xf32, #tpu.memory_space<hbm>>
      %dma_wait3A_57 = tpu.memref_squeeze %dma_wait3A_56 : memref<1x10240x64xf32, #tpu.memory_space<hbm>> -> memref<10240x64xf32, #tpu.memory_space<hbm>>
      %dma_wait3A_58 = arith.constant 0 : i32
      %dma_wait3A_59 = arith.constant 0 : i32
      %dma_wait3A_60 = tpu.memref_slice %dma_wait3A_57[%dma_wait3A_58, %dma_wait3A_59] : memref<10240x64xf32, #tpu.memory_space<hbm>> -> memref<10240x64xf32, #tpu.memory_space<hbm>>
      tpu.wait_indirect_dma semaphore(%arg13 : memref<!tpu.dma_semaphore, #tpu.memory_space<semaphore_mem>>) src(%dma_wait3A_60 : memref<10240x64xf32, #tpu.memory_space<hbm>>) dst(%arg10 : memref<128x64xf32, #tpu.memory_space<vmem>>)
      %add3A_61 = arith.constant 1 : i32
      %add3A_62 = arith.addi %mul3A_30, %add3A_61 : i32
      "tpu.region"() ({
        %run_scoped3A = tpu.sem_alloc : memref<!tpu.dma_semaphore, #tpu.memory_space<semaphore_mem>>
        %dma_start3A_72 = arith.constant 0 : i32
        %dma_start3A_73 = tpu.memref_slice %arg8[%add3A_62, %dma_start3A_72] : memref<160x128xi32, #tpu.memory_space<vmem>> -> memref<1x128xi32, #tpu.memory_space<vmem>>
        %dma_start3A_74 = tpu.memref_squeeze %dma_start3A_73 : memref<1x128xi32, #tpu.memory_space<vmem>> -> memref<128xi32, #tpu.memory_space<vmem>>
        %dma_start3A_75 = arith.constant 0 : i32
        %dma_start3A_76 = arith.constant 0 : i32
        %dma_start3A_77 = tpu.memref_slice %arg11[%dma_start3A_75, %dma_start3A_76] : memref<10240x64xf32, #tpu.memory_space<vmem_shared>> -> memref<10240x64xf32, #tpu.memory_space<vmem_shared>>
        tpu.enqueue_indirect_dma source(%arg10 : memref<128x64xf32, #tpu.memory_space<vmem>>) target(%dma_start3A_77 : memref<10240x64xf32, #tpu.memory_space<vmem_shared>>) offsets(%dma_start3A_74 : memref<128xi32, #tpu.memory_space<vmem>>) semaphore(%run_scoped3A : memref<!tpu.dma_semaphore, #tpu.memory_space<semaphore_mem>>) {add = true}
        %dma_wait3A_78 = arith.constant 0 : i32
        %dma_wait3A_79 = tpu.memref_slice %arg8[%add3A_62, %dma_wait3A_78] : memref<160x128xi32, #tpu.memory_space<vmem>> -> memref<1x128xi32, #tpu.memory_space<vmem>>
        %dma_wait3A_80 = tpu.memref_squeeze %dma_wait3A_79 : memref<1x128xi32, #tpu.memory_space<vmem>> -> memref<128xi32, #tpu.memory_space<vmem>>
        %dma_wait3A_81 = arith.constant 0 : i32
        %dma_wait3A_82 = arith.constant 0 : i32
        %dma_wait3A_83 = tpu.memref_slice %arg11[%dma_wait3A_81, %dma_wait3A_82] : memref<10240x64xf32, #tpu.memory_space<vmem_shared>> -> memref<10240x64xf32, #tpu.memory_space<vmem_shared>>
        tpu.wait_indirect_dma semaphore(%run_scoped3A : memref<!tpu.dma_semaphore, #tpu.memory_space<semaphore_mem>>) src(%arg10 : memref<128x64xf32, #tpu.memory_space<vmem>>) dst(%dma_wait3A_83 : memref<10240x64xf32, #tpu.memory_space<vmem_shared>>)
        tpu.yield
      }) : () -> ()
      %add3A_63 = arith.constant 1 : i32
      %add3A_64 = arith.addi %mul3A_30, %add3A_63 : i32
      %add3A_65 = arith.constant 2 : i32
      %add3A_66 = arith.addi %add3A_64, %add3A_65 : i32
      %lt3A_67 = arith.constant 160 : i32
      %lt3A_68 = arith.cmpi slt, %add3A_66, %lt3A_67 : i32
      %convert_element_type3A_69 = arith.extui %lt3A_68 : i1 to i32
      %cond3A_70 = arith.constant 0 : i32
      %cond3A_71 = arith.cmpi ne, %convert_element_type3A_69, %cond3A_70 : i32
      scf.if %cond3A_71 {
        %add3A_72 = arith.constant 1 : i32
        %add3A_73 = arith.addi %mul3A_30, %add3A_72 : i32
        %add3A_74 = arith.constant 2 : i32
        %add3A_75 = arith.addi %add3A_73, %add3A_74 : i32
        %dma_start3A_76 = arith.constant 0 : i32
        %dma_start3A_77 = tpu.memref_slice %arg7[%add3A_75, %dma_start3A_76] : memref<160x128xi32, #tpu.memory_space<vmem>> -> memref<1x128xi32, #tpu.memory_space<vmem>>
        %dma_start3A_78 = tpu.memref_squeeze %dma_start3A_77 : memref<1x128xi32, #tpu.memory_space<vmem>> -> memref<128xi32, #tpu.memory_space<vmem>>
        %dma_start3A_79 = arith.constant 0 : i32
        %dma_start3A_80 = arith.constant 0 : i32
        %dma_start3A_81 = tpu.memref_slice %arg2[%arg0, %dma_start3A_79, %dma_start3A_80] : memref<2x10240x64xf32, #tpu.memory_space<hbm>> -> memref<1x10240x64xf32, #tpu.memory_space<hbm>>
        %dma_start3A_82 = tpu.memref_squeeze %dma_start3A_81 : memref<1x10240x64xf32, #tpu.memory_space<hbm>> -> memref<10240x64xf32, #tpu.memory_space<hbm>>
        %dma_start3A_83 = arith.constant 0 : i32
        %dma_start3A_84 = arith.constant 0 : i32
        %dma_start3A_85 = tpu.memref_slice %dma_start3A_82[%dma_start3A_83, %dma_start3A_84] : memref<10240x64xf32, #tpu.memory_space<hbm>> -> memref<10240x64xf32, #tpu.memory_space<hbm>>
        tpu.enqueue_indirect_dma source(%dma_start3A_85 : memref<10240x64xf32, #tpu.memory_space<hbm>>) target(%arg10 : memref<128x64xf32, #tpu.memory_space<vmem>>) offsets(%dma_start3A_78 : memref<128xi32, #tpu.memory_space<vmem>>) semaphore(%arg13 : memref<!tpu.dma_semaphore, #tpu.memory_space<semaphore_mem>>)
      } else {
      }
    }
    %scan3A_26 = arith.constant 80 : i32
    %barrier3A_27 = arith.constant 0 : index
    tpu.barrier barrier_id(%barrier3A_27)
    "tpu.region"() ({
      %run_scoped3A = tpu.sem_alloc : memref<!tpu.dma_semaphore, #tpu.memory_space<semaphore_mem>>
      %dma_start3A_28 = arith.constant 0 : i32
      %dma_start3A_29 = tpu.memref_slice %arg6[%arg0, %mul3A_0, %dma_start3A_28] : memref<2x10240x64xf32, #tpu.memory_space<hbm>> -> memref<1x640x64xf32, #tpu.memory_space<hbm>>
      %dma_start3A_30 = tpu.memref_squeeze %dma_start3A_29 : memref<1x640x64xf32, #tpu.memory_space<hbm>> -> memref<640x64xf32, #tpu.memory_space<hbm>>
      %dma_start3A_31 = arith.constant 0 : i32
      %dma_start3A_32 = tpu.memref_slice %arg11[%mul3A_0, %dma_start3A_31] : memref<10240x64xf32, #tpu.memory_space<vmem_shared>> -> memref<640x64xf32, #tpu.memory_space<vmem_shared>>
      tpu.enqueue_dma source(%dma_start3A_32 : memref<640x64xf32, #tpu.memory_space<vmem_shared>>) target(%dma_start3A_30 : memref<640x64xf32, #tpu.memory_space<hbm>>) target_semaphore(%run_scoped3A : memref<!tpu.dma_semaphore, #tpu.memory_space<semaphore_mem>>)
      %dma_wait3A = arith.constant 0 : i32
      %dma_wait3A_33 = tpu.memref_slice %arg6[%arg0, %mul3A_0, %dma_wait3A] : memref<2x10240x64xf32, #tpu.memory_space<hbm>> -> memref<1x640x64xf32, #tpu.memory_space<hbm>>
      %dma_wait3A_34 = tpu.memref_squeeze %dma_wait3A_33 : memref<1x640x64xf32, #tpu.memory_space<hbm>> -> memref<640x64xf32, #tpu.memory_space<hbm>>
      %dma_wait3A_35 = arith.constant 0 : i32
      %dma_wait3A_36 = tpu.memref_slice %arg11[%mul3A_0, %dma_wait3A_35] : memref<10240x64xf32, #tpu.memory_space<vmem_shared>> -> memref<640x64xf32, #tpu.memory_space<vmem_shared>>
      tpu.wait_dma2 semaphore(%run_scoped3A : memref<!tpu.dma_semaphore, #tpu.memory_space<semaphore_mem>>) src(%dma_wait3A_36 : memref<640x64xf32, #tpu.memory_space<vmem_shared>>) dst(%dma_wait3A_34 : memref<640x64xf32, #tpu.memory_space<hbm>>)
      tpu.yield
    }) : () -> ()
    return
  }
}

module attributes {stable_mosaic.version = 14 : i64} {
  func.func @_tc_layer_body(%arg0: i32, %arg1: memref<2x1024x64xf32, #tpu.memory_space<vmem>>, %arg2: memref<2x1024x8xf32, #tpu.memory_space<vmem>>, %arg3: memref<2x1024x64xf32, #tpu.memory_space<vmem>>, %arg4: memref<128x128xf32, #tpu.memory_space<vmem>>, %arg5: memref<128x128xf32, #tpu.memory_space<vmem>>, %arg6: memref<1x128xf32, #tpu.memory_space<vmem>>, %arg7: memref<2x1024x64xf32, #tpu.memory_space<vmem>>) attributes {dimension_semantics = [#tpu.dimension_semantics<arbitrary>], iteration_bounds = array<i64: 10>, scalar_prefetch = 0 : i64, scratch_operands = 0 : i64, tpu.core_type = #tpu.core_type<tc>, window_params = [{transform_indices = @transform_0, window_bounds = array<i64: 2, 1024, 64>}, {transform_indices = @transform_1, window_bounds = array<i64: 2, 1024, 8>}, {transform_indices = @transform_2, window_bounds = array<i64: 2, 1024, 64>}, {pipeline_mode = #tpu.pipeline_mode<synchronous>, transform_indices = @transform_3, window_bounds = array<i64: 128, 128>}, {pipeline_mode = #tpu.pipeline_mode<synchronous>, transform_indices = @transform_4, window_bounds = array<i64: 128, 128>}, {pipeline_mode = #tpu.pipeline_mode<synchronous>, transform_indices = @transform_5, window_bounds = array<i64: 1, 128>}, {transform_indices = @transform_6, window_bounds = array<i64: 2, 1024, 64>}]} {
    %get3A = arith.constant 0 : index
    %get3A_0 = arith.constant 0 : index
    %get3A_1 = arith.constant 0 : index
    %get3A_2 = vector.load %arg2[%get3A, %get3A_0, %get3A_1] : memref<2x1024x8xf32, #tpu.memory_space<vmem>>, vector<1x1024x1xf32>
    %get3A_3 = vector.shape_cast %get3A_2 : vector<1x1024x1xf32> to vector<1024xf32>
    %get3A_4 = arith.constant 1 : index
    %get3A_5 = arith.constant 0 : index
    %get3A_6 = arith.constant 0 : index
    %get3A_7 = vector.load %arg2[%get3A_4, %get3A_5, %get3A_6] : memref<2x1024x8xf32, #tpu.memory_space<vmem>>, vector<1x1024x1xf32>
    %get3A_8 = vector.shape_cast %get3A_7 : vector<1x1024x1xf32> to vector<1024xf32>
    %add3A = arith.addf %get3A_3, %get3A_8 : vector<1024xf32>
    %max3A = arith.constant 1.000000e+00 : f32
    %max3A_9 = vector.broadcast %max3A : f32 to vector<1024xf32>
    %max3A_10 = arith.maximumf %add3A, %max3A_9 : vector<1024xf32>
    %div3A = arith.constant 1.000000e+00 : f32
    %div3A_11 = vector.broadcast %div3A : f32 to vector<1024xf32>
    %div3A_12 = arith.divf %div3A_11, %max3A_10 : vector<1024xf32>
    %get3A_13 = arith.constant 0 : index
    %get3A_14 = arith.constant 0 : index
    %get3A_15 = vector.load %arg4[%get3A_13, %get3A_14] : memref<128x128xf32, #tpu.memory_space<vmem>>, vector<128x128xf32>
    %get3A_16 = arith.constant 0 : index
    %get3A_17 = arith.constant 0 : index
    %get3A_18 = vector.load %arg5[%get3A_16, %get3A_17] : memref<128x128xf32, #tpu.memory_space<vmem>>, vector<128x128xf32>
    %get3A_19 = arith.constant 0 : index
    %get3A_20 = arith.constant 0 : index
    %get3A_21 = arith.constant 0 : index
    %get3A_22 = vector.load %arg1[%get3A_19, %get3A_20, %get3A_21] : memref<2x1024x64xf32, #tpu.memory_space<vmem>>, vector<1x1024x64xf32>
    %get3A_23 = vector.shape_cast %get3A_22 : vector<1x1024x64xf32> to vector<1024x64xf32>
    %broadcast_in_dim3A = vector.shape_cast %div3A_12 : vector<1024xf32> to vector<1024x1xf32>
    %mul3A = vector.broadcast %broadcast_in_dim3A : vector<1024x1xf32> to vector<1024x64xf32>
    %mul3A_24 = arith.mulf %get3A_23, %mul3A : vector<1024x64xf32>
    %slice3A = vector.extract_strided_slice %get3A_15 {offsets = [0, 0], sizes = [64, 128], strides = [1, 1]} : vector<128x128xf32> to vector<64x128xf32>
    %dot_general3A = arith.constant dense<0.000000e+00> : vector<1024x128xf32>
    %dot_general3A_25 = tpu.matmul %mul3A_24, %slice3A, %dot_general3A {dimension_numbers = #tpu.dot_dimension_numbers<[1], [0], [0], [1], [0, 0, 1, 1], [], []>, transpose_lhs_hint = false} : vector<1024x64xf32>, vector<64x128xf32>, vector<1024x128xf32> -> vector<1024x128xf32>
    %get3A_26 = arith.constant 1 : index
    %get3A_27 = arith.constant 0 : index
    %get3A_28 = arith.constant 0 : index
    %get3A_29 = vector.load %arg1[%get3A_26, %get3A_27, %get3A_28] : memref<2x1024x64xf32, #tpu.memory_space<vmem>>, vector<1x1024x64xf32>
    %get3A_30 = vector.shape_cast %get3A_29 : vector<1x1024x64xf32> to vector<1024x64xf32>
    %broadcast_in_dim3A_31 = vector.shape_cast %div3A_12 : vector<1024xf32> to vector<1024x1xf32>
    %mul3A_32 = vector.broadcast %broadcast_in_dim3A_31 : vector<1024x1xf32> to vector<1024x64xf32>
    %mul3A_33 = arith.mulf %get3A_30, %mul3A_32 : vector<1024x64xf32>
    %slice3A_34 = vector.extract_strided_slice %get3A_15 {offsets = [64, 0], sizes = [64, 128], strides = [1, 1]} : vector<128x128xf32> to vector<64x128xf32>
    %dot_general3A_35 = arith.constant dense<0.000000e+00> : vector<1024x128xf32>
    %dot_general3A_36 = tpu.matmul %mul3A_33, %slice3A_34, %dot_general3A_35 {dimension_numbers = #tpu.dot_dimension_numbers<[1], [0], [0], [1], [0, 0, 1, 1], [], []>, transpose_lhs_hint = false} : vector<1024x64xf32>, vector<64x128xf32>, vector<1024x128xf32> -> vector<1024x128xf32>
    %add3A_37 = arith.addf %dot_general3A_25, %dot_general3A_36 : vector<1024x128xf32>
    %get3A_38 = arith.constant 0 : index
    %get3A_39 = arith.constant 0 : index
    %get3A_40 = arith.constant 0 : index
    %get3A_41 = vector.load %arg3[%get3A_38, %get3A_39, %get3A_40] : memref<2x1024x64xf32, #tpu.memory_space<vmem>>, vector<1x1024x64xf32>
    %get3A_42 = vector.shape_cast %get3A_41 : vector<1x1024x64xf32> to vector<1024x64xf32>
    %slice3A_43 = vector.extract_strided_slice %get3A_18 {offsets = [0, 0], sizes = [64, 128], strides = [1, 1]} : vector<128x128xf32> to vector<64x128xf32>
    %dot_general3A_44 = arith.constant dense<0.000000e+00> : vector<1024x128xf32>
    %dot_general3A_45 = tpu.matmul %get3A_42, %slice3A_43, %dot_general3A_44 {dimension_numbers = #tpu.dot_dimension_numbers<[1], [0], [0], [1], [0, 0, 1, 1], [], []>, transpose_lhs_hint = false} : vector<1024x64xf32>, vector<64x128xf32>, vector<1024x128xf32> -> vector<1024x128xf32>
    %add3A_46 = arith.addf %add3A_37, %dot_general3A_45 : vector<1024x128xf32>
    %get3A_47 = arith.constant 1 : index
    %get3A_48 = arith.constant 0 : index
    %get3A_49 = arith.constant 0 : index
    %get3A_50 = vector.load %arg3[%get3A_47, %get3A_48, %get3A_49] : memref<2x1024x64xf32, #tpu.memory_space<vmem>>, vector<1x1024x64xf32>
    %get3A_51 = vector.shape_cast %get3A_50 : vector<1x1024x64xf32> to vector<1024x64xf32>
    %slice3A_52 = vector.extract_strided_slice %get3A_18 {offsets = [64, 0], sizes = [64, 128], strides = [1, 1]} : vector<128x128xf32> to vector<64x128xf32>
    %dot_general3A_53 = arith.constant dense<0.000000e+00> : vector<1024x128xf32>
    %dot_general3A_54 = tpu.matmul %get3A_51, %slice3A_52, %dot_general3A_53 {dimension_numbers = #tpu.dot_dimension_numbers<[1], [0], [0], [1], [0, 0, 1, 1], [], []>, transpose_lhs_hint = false} : vector<1024x64xf32>, vector<64x128xf32>, vector<1024x128xf32> -> vector<1024x128xf32>
    %add3A_55 = arith.addf %add3A_46, %dot_general3A_54 : vector<1024x128xf32>
    %get3A_56 = arith.constant 0 : index
    %get3A_57 = arith.constant 0 : index
    %get3A_58 = vector.load %arg6[%get3A_56, %get3A_57] : memref<1x128xf32, #tpu.memory_space<vmem>>, vector<1x128xf32>
    %add3A_59 = vector.broadcast %get3A_58 : vector<1x128xf32> to vector<1024x128xf32>
    %add3A_60 = arith.addf %add3A_55, %add3A_59 : vector<1024x128xf32>
    %max3A_61 = arith.constant 0.000000e+00 : f32
    %max3A_62 = vector.broadcast %max3A_61 : f32 to vector<1024x128xf32>
    %max3A_63 = arith.maximumf %add3A_60, %max3A_62 : vector<1024x128xf32>
    %slice3A_64 = vector.extract_strided_slice %max3A_63 {offsets = [0, 0], sizes = [1024, 64], strides = [1, 1]} : vector<1024x128xf32> to vector<1024x64xf32>
    %swap3A = arith.constant 0 : index
    %swap3A_65 = arith.constant 0 : index
    %swap3A_66 = arith.constant 0 : index
    %swap3A_67 = vector.load %arg7[%swap3A, %swap3A_65, %swap3A_66] : memref<2x1024x64xf32, #tpu.memory_space<vmem>>, vector<1x1024x64xf32>
    %swap3A_68 = vector.shape_cast %swap3A_67 : vector<1x1024x64xf32> to vector<1024x64xf32>
    %swap3A_69 = vector.shape_cast %slice3A_64 : vector<1024x64xf32> to vector<1x1024x64xf32>
    tpu.vector_store %arg7[%swap3A, %swap3A_65, %swap3A_66], %swap3A_69 {strides = array<i32>} : memref<2x1024x64xf32, #tpu.memory_space<vmem>>, vector<1x1024x64xf32>,
    %slice3A_70 = vector.extract_strided_slice %max3A_63 {offsets = [0, 64], sizes = [1024, 64], strides = [1, 1]} : vector<1024x128xf32> to vector<1024x64xf32>
    %swap3A_71 = arith.constant 1 : index
    %swap3A_72 = arith.constant 0 : index
    %swap3A_73 = arith.constant 0 : index
    %swap3A_74 = vector.load %arg7[%swap3A_71, %swap3A_72, %swap3A_73] : memref<2x1024x64xf32, #tpu.memory_space<vmem>>, vector<1x1024x64xf32>
    %swap3A_75 = vector.shape_cast %swap3A_74 : vector<1x1024x64xf32> to vector<1024x64xf32>
    %swap3A_76 = vector.shape_cast %slice3A_70 : vector<1024x64xf32> to vector<1x1024x64xf32>
    tpu.vector_store %arg7[%swap3A_71, %swap3A_72, %swap3A_73], %swap3A_76 {strides = array<i32>} : memref<2x1024x64xf32, #tpu.memory_space<vmem>>, vector<1x1024x64xf32>,
    return
  }
  func.func @transform_0(%arg0: i32) -> (i32, i32, i32) {
    %c0_i32 = arith.constant 0 : i32
    %c0_i32_0 = arith.constant 0 : i32
    %c0_i32_1 = arith.constant 0 : i32
    return %c0_i32, %arg0, %c0_i32_0 : i32, i32, i32
  }
  func.func @transform_1(%arg0: i32) -> (i32, i32, i32) {
    %c0_i32 = arith.constant 0 : i32
    %c0_i32_0 = arith.constant 0 : i32
    %c0_i32_1 = arith.constant 0 : i32
    return %c0_i32, %arg0, %c0_i32_0 : i32, i32, i32
  }
  func.func @transform_2(%arg0: i32) -> (i32, i32, i32) {
    %c0_i32 = arith.constant 0 : i32
    %c0_i32_0 = arith.constant 0 : i32
    %c0_i32_1 = arith.constant 0 : i32
    return %c0_i32, %arg0, %c0_i32_0 : i32, i32, i32
  }
  func.func @transform_3(%arg0: i32) -> (i32, i32) {
    %c0_i32 = arith.constant 0 : i32
    %c0_i32_0 = arith.constant 0 : i32
    %c0_i32_1 = arith.constant 0 : i32
    return %c0_i32, %c0_i32_0 : i32, i32
  }
  func.func @transform_4(%arg0: i32) -> (i32, i32) {
    %c0_i32 = arith.constant 0 : i32
    %c0_i32_0 = arith.constant 0 : i32
    %c0_i32_1 = arith.constant 0 : i32
    return %c0_i32, %c0_i32_0 : i32, i32
  }
  func.func @transform_5(%arg0: i32) -> (i32, i32) {
    %c0_i32 = arith.constant 0 : i32
    %c0_i32_0 = arith.constant 0 : i32
    %c0_i32_1 = arith.constant 0 : i32
    return %c0_i32, %c0_i32_0 : i32, i32
  }
  func.func @transform_6(%arg0: i32) -> (i32, i32, i32) {
    %c0_i32 = arith.constant 0 : i32
    %c0_i32_0 = arith.constant 0 : i32
    %c0_i32_1 = arith.constant 0 : i32
    return %c0_i32, %arg0, %c0_i32_0 : i32, i32, i32
  }
}

module attributes {stable_mosaic.version = 14 : i64} {
  func.func @_tc_layer_body(%arg0: i32, %arg1: memref<2x1024x64xf32, #tpu.memory_space<vmem>>, %arg2: memref<2x1024x8xf32, #tpu.memory_space<vmem>>, %arg3: memref<2x1024x64xf32, #tpu.memory_space<vmem>>, %arg4: memref<128x128xf32, #tpu.memory_space<vmem>>, %arg5: memref<128x128xf32, #tpu.memory_space<vmem>>, %arg6: memref<1x128xf32, #tpu.memory_space<vmem>>, %arg7: memref<1024x128xf32, #tpu.memory_space<vmem>>) attributes {dimension_semantics = [#tpu.dimension_semantics<arbitrary>], iteration_bounds = array<i64: 10>, scalar_prefetch = 0 : i64, scratch_operands = 0 : i64, tpu.core_type = #tpu.core_type<tc>, window_params = [{transform_indices = @transform_0, window_bounds = array<i64: 2, 1024, 64>}, {transform_indices = @transform_1, window_bounds = array<i64: 2, 1024, 8>}, {transform_indices = @transform_2, window_bounds = array<i64: 2, 1024, 64>}, {pipeline_mode = #tpu.pipeline_mode<synchronous>, transform_indices = @transform_3, window_bounds = array<i64: 128, 128>}, {pipeline_mode = #tpu.pipeline_mode<synchronous>, transform_indices = @transform_4, window_bounds = array<i64: 128, 128>}, {pipeline_mode = #tpu.pipeline_mode<synchronous>, transform_indices = @transform_5, window_bounds = array<i64: 1, 128>}, {transform_indices = @transform_6, window_bounds = array<i64: 1024, 128>}]} {
    %get3A = arith.constant 0 : index
    %get3A_0 = arith.constant 0 : index
    %get3A_1 = arith.constant 0 : index
    %get3A_2 = vector.load %arg2[%get3A, %get3A_0, %get3A_1] : memref<2x1024x8xf32, #tpu.memory_space<vmem>>, vector<1x1024x1xf32>
    %get3A_3 = vector.shape_cast %get3A_2 : vector<1x1024x1xf32> to vector<1024xf32>
    %get3A_4 = arith.constant 1 : index
    %get3A_5 = arith.constant 0 : index
    %get3A_6 = arith.constant 0 : index
    %get3A_7 = vector.load %arg2[%get3A_4, %get3A_5, %get3A_6] : memref<2x1024x8xf32, #tpu.memory_space<vmem>>, vector<1x1024x1xf32>
    %get3A_8 = vector.shape_cast %get3A_7 : vector<1x1024x1xf32> to vector<1024xf32>
    %add3A = arith.addf %get3A_3, %get3A_8 : vector<1024xf32>
    %max3A = arith.constant 1.000000e+00 : f32
    %max3A_9 = vector.broadcast %max3A : f32 to vector<1024xf32>
    %max3A_10 = arith.maximumf %add3A, %max3A_9 : vector<1024xf32>
    %div3A = arith.constant 1.000000e+00 : f32
    %div3A_11 = vector.broadcast %div3A : f32 to vector<1024xf32>
    %div3A_12 = arith.divf %div3A_11, %max3A_10 : vector<1024xf32>
    %get3A_13 = arith.constant 0 : index
    %get3A_14 = arith.constant 0 : index
    %get3A_15 = vector.load %arg4[%get3A_13, %get3A_14] : memref<128x128xf32, #tpu.memory_space<vmem>>, vector<128x128xf32>
    %get3A_16 = arith.constant 0 : index
    %get3A_17 = arith.constant 0 : index
    %get3A_18 = vector.load %arg5[%get3A_16, %get3A_17] : memref<128x128xf32, #tpu.memory_space<vmem>>, vector<128x128xf32>
    %get3A_19 = arith.constant 0 : index
    %get3A_20 = arith.constant 0 : index
    %get3A_21 = arith.constant 0 : index
    %get3A_22 = vector.load %arg1[%get3A_19, %get3A_20, %get3A_21] : memref<2x1024x64xf32, #tpu.memory_space<vmem>>, vector<1x1024x64xf32>
    %get3A_23 = vector.shape_cast %get3A_22 : vector<1x1024x64xf32> to vector<1024x64xf32>
    %broadcast_in_dim3A = vector.shape_cast %div3A_12 : vector<1024xf32> to vector<1024x1xf32>
    %mul3A = vector.broadcast %broadcast_in_dim3A : vector<1024x1xf32> to vector<1024x64xf32>
    %mul3A_24 = arith.mulf %get3A_23, %mul3A : vector<1024x64xf32>
    %slice3A = vector.extract_strided_slice %get3A_15 {offsets = [0, 0], sizes = [64, 128], strides = [1, 1]} : vector<128x128xf32> to vector<64x128xf32>
    %dot_general3A = arith.constant dense<0.000000e+00> : vector<1024x128xf32>
    %dot_general3A_25 = tpu.matmul %mul3A_24, %slice3A, %dot_general3A {dimension_numbers = #tpu.dot_dimension_numbers<[1], [0], [0], [1], [0, 0, 1, 1], [], []>, transpose_lhs_hint = false} : vector<1024x64xf32>, vector<64x128xf32>, vector<1024x128xf32> -> vector<1024x128xf32>
    %get3A_26 = arith.constant 1 : index
    %get3A_27 = arith.constant 0 : index
    %get3A_28 = arith.constant 0 : index
    %get3A_29 = vector.load %arg1[%get3A_26, %get3A_27, %get3A_28] : memref<2x1024x64xf32, #tpu.memory_space<vmem>>, vector<1x1024x64xf32>
    %get3A_30 = vector.shape_cast %get3A_29 : vector<1x1024x64xf32> to vector<1024x64xf32>
    %broadcast_in_dim3A_31 = vector.shape_cast %div3A_12 : vector<1024xf32> to vector<1024x1xf32>
    %mul3A_32 = vector.broadcast %broadcast_in_dim3A_31 : vector<1024x1xf32> to vector<1024x64xf32>
    %mul3A_33 = arith.mulf %get3A_30, %mul3A_32 : vector<1024x64xf32>
    %slice3A_34 = vector.extract_strided_slice %get3A_15 {offsets = [64, 0], sizes = [64, 128], strides = [1, 1]} : vector<128x128xf32> to vector<64x128xf32>
    %dot_general3A_35 = arith.constant dense<0.000000e+00> : vector<1024x128xf32>
    %dot_general3A_36 = tpu.matmul %mul3A_33, %slice3A_34, %dot_general3A_35 {dimension_numbers = #tpu.dot_dimension_numbers<[1], [0], [0], [1], [0, 0, 1, 1], [], []>, transpose_lhs_hint = false} : vector<1024x64xf32>, vector<64x128xf32>, vector<1024x128xf32> -> vector<1024x128xf32>
    %add3A_37 = arith.addf %dot_general3A_25, %dot_general3A_36 : vector<1024x128xf32>
    %get3A_38 = arith.constant 0 : index
    %get3A_39 = arith.constant 0 : index
    %get3A_40 = arith.constant 0 : index
    %get3A_41 = vector.load %arg3[%get3A_38, %get3A_39, %get3A_40] : memref<2x1024x64xf32, #tpu.memory_space<vmem>>, vector<1x1024x64xf32>
    %get3A_42 = vector.shape_cast %get3A_41 : vector<1x1024x64xf32> to vector<1024x64xf32>
    %slice3A_43 = vector.extract_strided_slice %get3A_18 {offsets = [0, 0], sizes = [64, 128], strides = [1, 1]} : vector<128x128xf32> to vector<64x128xf32>
    %dot_general3A_44 = arith.constant dense<0.000000e+00> : vector<1024x128xf32>
    %dot_general3A_45 = tpu.matmul %get3A_42, %slice3A_43, %dot_general3A_44 {dimension_numbers = #tpu.dot_dimension_numbers<[1], [0], [0], [1], [0, 0, 1, 1], [], []>, transpose_lhs_hint = false} : vector<1024x64xf32>, vector<64x128xf32>, vector<1024x128xf32> -> vector<1024x128xf32>
    %add3A_46 = arith.addf %add3A_37, %dot_general3A_45 : vector<1024x128xf32>
    %get3A_47 = arith.constant 1 : index
    %get3A_48 = arith.constant 0 : index
    %get3A_49 = arith.constant 0 : index
    %get3A_50 = vector.load %arg3[%get3A_47, %get3A_48, %get3A_49] : memref<2x1024x64xf32, #tpu.memory_space<vmem>>, vector<1x1024x64xf32>
    %get3A_51 = vector.shape_cast %get3A_50 : vector<1x1024x64xf32> to vector<1024x64xf32>
    %slice3A_52 = vector.extract_strided_slice %get3A_18 {offsets = [64, 0], sizes = [64, 128], strides = [1, 1]} : vector<128x128xf32> to vector<64x128xf32>
    %dot_general3A_53 = arith.constant dense<0.000000e+00> : vector<1024x128xf32>
    %dot_general3A_54 = tpu.matmul %get3A_51, %slice3A_52, %dot_general3A_53 {dimension_numbers = #tpu.dot_dimension_numbers<[1], [0], [0], [1], [0, 0, 1, 1], [], []>, transpose_lhs_hint = false} : vector<1024x64xf32>, vector<64x128xf32>, vector<1024x128xf32> -> vector<1024x128xf32>
    %add3A_55 = arith.addf %add3A_46, %dot_general3A_54 : vector<1024x128xf32>
    %get3A_56 = arith.constant 0 : index
    %get3A_57 = arith.constant 0 : index
    %get3A_58 = vector.load %arg6[%get3A_56, %get3A_57] : memref<1x128xf32, #tpu.memory_space<vmem>>, vector<1x128xf32>
    %add3A_59 = vector.broadcast %get3A_58 : vector<1x128xf32> to vector<1024x128xf32>
    %add3A_60 = arith.addf %add3A_55, %add3A_59 : vector<1024x128xf32>
    %swap3A = arith.constant 0 : index
    %swap3A_61 = arith.constant 0 : index
    %swap3A_62 = vector.load %arg7[%swap3A, %swap3A_61] : memref<1024x128xf32, #tpu.memory_space<vmem>>, vector<1024x128xf32>
    tpu.vector_store %arg7[%swap3A, %swap3A_61], %add3A_60 {strides = array<i32>} : memref<1024x128xf32, #tpu.memory_space<vmem>>, vector<1024x128xf32>,
    return
  }
  func.func @transform_0(%arg0: i32) -> (i32, i32, i32) {
    %c0_i32 = arith.constant 0 : i32
    %c0_i32_0 = arith.constant 0 : i32
    %c0_i32_1 = arith.constant 0 : i32
    return %c0_i32, %arg0, %c0_i32_0 : i32, i32, i32
  }
  func.func @transform_1(%arg0: i32) -> (i32, i32, i32) {
    %c0_i32 = arith.constant 0 : i32
    %c0_i32_0 = arith.constant 0 : i32
    %c0_i32_1 = arith.constant 0 : i32
    return %c0_i32, %arg0, %c0_i32_0 : i32, i32, i32
  }
  func.func @transform_2(%arg0: i32) -> (i32, i32, i32) {
    %c0_i32 = arith.constant 0 : i32
    %c0_i32_0 = arith.constant 0 : i32
    %c0_i32_1 = arith.constant 0 : i32
    return %c0_i32, %arg0, %c0_i32_0 : i32, i32, i32
  }
  func.func @transform_3(%arg0: i32) -> (i32, i32) {
    %c0_i32 = arith.constant 0 : i32
    %c0_i32_0 = arith.constant 0 : i32
    %c0_i32_1 = arith.constant 0 : i32
    return %c0_i32, %c0_i32_0 : i32, i32
  }
  func.func @transform_4(%arg0: i32) -> (i32, i32) {
    %c0_i32 = arith.constant 0 : i32
    %c0_i32_0 = arith.constant 0 : i32
    %c0_i32_1 = arith.constant 0 : i32
    return %c0_i32, %c0_i32_0 : i32, i32
  }
  func.func @transform_5(%arg0: i32) -> (i32, i32) {
    %c0_i32 = arith.constant 0 : i32
    %c0_i32_0 = arith.constant 0 : i32
    %c0_i32_1 = arith.constant 0 : i32
    return %c0_i32, %c0_i32_0 : i32, i32
  }
  func.func @transform_6(%arg0: i32) -> (i32, i32) {
    %c0_i32 = arith.constant 0 : i32
    %c0_i32_0 = arith.constant 0 : i32
    return %arg0, %c0_i32 : i32, i32
  }
}

</mosaic_0001>

<sc_bundles>
// kernel: kernel.6.cloned.1.call-start
scs
__scs_entry_jumppad:
0x0: {  	(pc) =	sbr.rel $0x88, $3  }
0x1: {  	(tag) =	ssettag $0x0;
	lr =	simm.s32 $0x1  }
0x2: {  	[smem:$0x3F99] =	sst lr;
	_ =	strace $0xD0000000  }
0x3: {  	_ = 	snop  }
0x4: {  	_ = 	snop  }
0x5: {  	_ = 	snop  }
0x6: {  	_ = 	snop  }
0x7: {  	_ = 	snop  }
__scs_overlays_trampoline_lowered:
0x8: {  	[smem:$0x3FA8] =	sst s0  }
0x9: {  	[smem:$0x3FA9] =	sst s1  }
0xa: {  	[smem:$0x3FAA] =	sst s2  }
0xb: {  	[smem:$0x3FAB] =	sst s3  }
0xc: {  	[smem:$0x3FAC] =	sst s4  }
0xd: {  	[smem:$0x3FAD] =	sst s5  }
0xe: {  	[smem:$0x3FAE] =	sst s6  }
0xf: {  	[smem:$0x3FAF] =	sst s7  }
0x10: {  	[smem:$0x3FB0] =	sst s8  }
0x11: {  	[smem:$0x3FB1] =	sst s9;
	s0 =	simm.s32 @!p0 $0x0  }
0x12: {  	s1 =	sld [smem:$0x3F97];
	s0 =	simm.s32 @p0 $0x1  }
0x13: {  	[smem:$0x3FB2] =	sst s0;
	s0 =	simm.s32 @!p1 $0x0  }
0x14: {  	s2 =	sld [smem:$0x3F96];
	s0 =	simm.s32 @p1 $0x1  }
0x15: {  	[smem:$0x3FB3] =	sst s0;
	s0 =	simm.s32 @!p2 $0x0  }
0x16: {  	s3 =	sld [smem:$0x3FDB];
	s0 =	simm.s32 @p2 $0x1  }
0x17: {  	s4 =	simm.s32 $0x1BF5;
	[smem:$0x3FB5] =	sst s0  }
0x18: {  	s0 =	sld [smem:$0x3F98];
	_ =	swait.ge [sflag:s4], $0x0  }
0x19: {  	s7 =	sld [smem:$0x3F99]  }
0x1a: {  	s8 =	sadd.s32 $0xFFFFE003, lr  }
0x1b: {  	s9 =	sadd.s32 $0xFFFFFEF7, lr;
	s5 =	simm.s32 $0xFFFFFFFF;
	p2 =	slt.u32 s8, $0xFFFFF086  }
0x1c: {  	p1 =	slt.u32 s9, $0xF7A;
	s5 =	simm.s32 @!p2 $0x0  }
0x1d: {  	s5 =	simm.s32 @p1 $0x1;
	p0 =	seq.s32 s7, s2  }
0x1e: {  	s7 =	smul.u32 @!p0 $0xF7A, s2;
	p2 =	seq.s32 @!p0 s5, $0x0  }
0x1f: {  	s9 =	smul.u32 $0xF7A, s1;
	s8 =	simm.s32 @!p0 $0x1BF5;
	p2 =	por !p2, p0  }
0x20: {  	[sflag:s8] =	ssyncset.s32 @!p0 $0xFFFFF086;
	s6 =	sadd.s32 @!p0 s3, s7;
	s7 =	simm.s32 @!p0 $0x108  }
0x21: {  	s3 =	sadd.s32 s3, s9;
	s6 =	sadd.s32 @!p0 $0x88, s6;
	s7 =	simm.s32 @p2 $0x1082  }
0x22: {  	[simem:s7], [sflag:s8] =	dma.local @!p0 [hbm:s6], $0xF7A  }
0x23: {  	s9 =	sor.u32 $0xD0000000, s2;
	s6 =	simm.s32 $0x108;
	_ =	swait.ge @!p0 [sflag:s8], $0x0  }
0x24: {  	s3 =	sadd.s32 $0x88, s3;
	s6 =	simm.s32 @!p1 $0x1082;
	[sflag:s4] =	ssyncset.s32 $0xFFFFF086  }
0x25: {  	[simem:s6], [sflag:s4] =	dma.local [hbm:s3], $0xF7A  }
0x26: {  	[smem:$0x3F99] =	sst s1;
	(tag) =	ssettag s2;
	_ =	strace s9  }
0x27: {  	s1 =	sld [smem:$0x3FA9]  }
0x28: {  	s2 =	sld [smem:$0x3FAA]  }
0x29: {  	s4 =	sld [smem:$0x3FAC]  }
0x2a: {  	p0 =	seq.s32 s5, $0x0;
	s5 =	sld [smem:$0x3FAD]  }
0x2b: {  	s6 =	sld [smem:$0x3FAE]  }
0x2c: {  	s7 =	sld [smem:$0x3FAF]  }
0x2d: {  	s3 =	simm.s32 $0x108;
	s8 =	sld [smem:$0x3FB0]  }
0x2e: {  	s3 =	simm.s32 @!p0 $0x1082;
	s9 =	sld [smem:$0x3FB1]  }
0x2f: {  	lr =	sadd.s32 s0, s3;
	s0 =	sld [smem:$0x3FA8]  }
0x30: {  	s3 =	sld [smem:$0x3FAB]  }
0x31: {  	[smem:$0x3FB4] =	sst s10  }
0x32: {  	s10 =	sld [smem:$0x3FB2];
	_ =	sdelay $0x3  }
0x33: {  	p0 =	seq.s32 s10, $0x1;
	s10 =	sld [smem:$0x3FB4];
	_ =	sdelay $0x3  }
0x34: {  	[smem:$0x3FB4] =	sst s10  }
0x35: {  	s10 =	sld [smem:$0x3FB3];
	_ =	sdelay $0x3  }
0x36: {  	p1 =	seq.s32 s10, $0x1;
	s10 =	sld [smem:$0x3FB4];
	_ =	sdelay $0x3  }
0x37: {  	[smem:$0x3FB4] =	sst s10  }
0x38: {  	s10 =	sld [smem:$0x3FB5]  }
0x39: {  	_ = 	snop;
	(pc) =	sbr.ind lr, $3  }
0x3a: {  	_ = 	snop  }
0x3b: {  	_ = 	snop  }
0x3c: {  	p2 =	seq.s32 s10, $0x1;
	s10 =	sld [smem:$0x3FB4]  }
0x3d: {  	_ =	shalt  }
0x3e: {  	_ =	shalt  }
0x3f: {  	_ =	shalt  }
0x40: {  	_ =	shalt  }
0x41: {  	_ =	shalt  }
0x42: {  	_ =	shalt  }
0x43: {  	_ =	shalt  }
0x44: {  	_ =	shalt  }
0x45: {  	_ =	shalt  }
0x46: {  	_ =	shalt  }
0x47: {  	_ =	shalt  }
0x48: {  	_ =	shalt  }
0x49: {  	_ =	shalt  }
0x4a: {  	_ =	shalt  }
0x4b: {  	_ =	shalt  }
0x4c: {  	_ =	shalt  }
0x4d: {  	_ =	shalt  }
0x4e: {  	_ =	shalt  }
0x4f: {  	_ =	shalt  }
0x50: {  	_ =	shalt  }
0x51: {  	_ =	shalt  }
0x52: {  	_ =	shalt  }
0x53: {  	_ =	shalt  }
0x54: {  	_ =	shalt  }
0x55: {  	_ =	shalt  }
0x56: {  	_ =	shalt  }
0x57: {  	_ =	shalt  }
0x58: {  	_ =	shalt  }
0x59: {  	_ =	shalt  }
0x5a: {  	_ =	shalt  }
0x5b: {  	_ =	shalt  }
0x5c: {  	_ =	shalt  }
0x5d: {  	_ =	shalt  }
0x5e: {  	_ =	shalt  }
0x5f: {  	_ =	shalt  }
0x60: {  	_ =	shalt  }
0x61: {  	_ =	shalt  }
0x62: {  	_ =	shalt  }
0x63: {  	_ =	shalt  }
0x64: {  	_ =	shalt  }
0x65: {  	_ =	shalt  }
0x66: {  	_ =	shalt  }
0x67: {  	_ =	shalt  }
0x68: {  	_ =	shalt  }
0x69: {  	_ =	shalt  }
0x6a: {  	_ =	shalt  }
0x6b: {  	_ =	shalt  }
0x6c: {  	_ =	shalt  }
0x6d: {  	_ =	shalt  }
0x6e: {  	_ =	shalt  }
0x6f: {  	_ =	shalt  }
0x70: {  	_ =	shalt  }
0x71: {  	_ =	shalt  }
0x72: {  	_ =	shalt  }
0x73: {  	_ =	shalt  }
0x74: {  	_ =	shalt  }
0x75: {  	_ =	shalt  }
0x76: {  	_ =	shalt  }
0x77: {  	_ =	shalt  }
0x78: {  	_ =	shalt  }
0x79: {  	_ =	shalt  }
0x7a: {  	_ =	shalt  }
0x7b: {  	_ =	shalt  }
0x7c: {  	_ =	shalt  }
0x7d: {  	_ =	shalt  }
0x7e: {  	_ =	shalt  }
0x7f: {  	_ =	shalt  }
0x80: {  	_ =	shalt  }
0x81: {  	_ =	shalt  }
0x82: {  	_ =	shalt  }
0x83: {  	_ =	shalt  }
0x84: {  	_ =	shalt  }
0x85: {  	_ =	shalt  }
0x86: {  	_ =	shalt  }
0x87: {  	_ =	shalt  }
.Lfunc_end0:
.L_simem_size_0:
called_computation_lowered:
.L_overlay_start_0:
0x88: {  	s2 =	sld [smem:$0x3FD9]  }
0x89: {  	s3 =	sld [smem:$0x3FFE];
	_ =	sdelay $0x1  }
0x8a: {  	s1 =	srdreg.scid  }
0x8b: {  	s0 =	sand.u32 $0x1, s1  }
0x8c: {  	s17 =	sshll.u32 s0, $0xA;
	s2 =	sadd.s32 s3, s2  }
0x8d: {  	s2 =	sadd.s32 s2, s17  }
0x8e: {  	[smem:$0x3FC0] =	sst s2  }
0x8f: {  	_ = 	snop  }
0x90: {  	s2 =	sld [smem:$0x3FD0];
	(tm) =	ssettm $0x1  }
0x91: {  	s18 =	sld [smem:$0x3FFB];
	_ =	sdelay $0x3  }
0x92: {  	_ =	strace s18  }
0x93: {  	s3 =	sld [smem:$0x3FFC];
	_ =	sdelay $0x3  }
0x94: {  	_ =	strace s3  }
0x95: {  	s3 =	sld [smem:$0x3FFD];
	_ =	sdelay $0x3  }
0x96: {  	_ =	strace s3  }
0x97: {  	_ =	strace $0x8FFFFFFF  }
0x98: {  	s19 =	sld [smem:$0x3FDB];
	_ =	sdelay $0x1  }
0x99: {  	s4 =	simm.s32 $_scs_section_size  }
0x9a: {  	s5 =	simm.s32 $_size__tile_overlayer_lowered;
	s6 =	simm.s32 $_tile_overlayer_lowered  }
0x9b: {  	s22 =	simm.s32 $0x1BFF;
	s21 =	sshll.u32 s6, $0x1;
	s3 =	sadd.s32 s4, s19  }
0x9c: {  	s7 =	simm.s32 $0x0;
	s20 =	sshll.u32 s5, $0x1;
	s5 =	sadd.s32 s21, s3  }
0x9d: {  	[timem:s7], [sflag:s22] =	dma.local [hbm:s5], s20  }
0x9e: {  	_ =	swait.ge [sflag:s22], s20  }
0x9f: {  	s4 =	ssub.s32 $0x0, s20;
	[sflag:s22] =	ssyncset.done $0x0  }
0xa0: {  	[sflag:s22] =	ssyncadd.s32 s4;
	_ =	sdelay $0x1  }
0xa1: {  	s23 =	simm.s32 $0x1B8B  }
0xa2: {  	_ =	swait.ge [sflag:s23], $0x1  }
0xa3: {  	[sflag:s23] =	ssyncset.done $0x0  }
0xa4: {  	s25 =	simm.s32 $0x1B8E;
	s24 =	sld [smem:$0x3FFE];
	[sflag:s23] =	ssyncadd.s32 $0xFFFFFFFF  }
0xa5: {  	s26 =	simm.s32 $execute0_lowered;
	[smem:$0x3FD2] =	sst s25  }
0xa6: {  	s5 =	sshll.u32 s26, $0x1;
	_ =	strace $0x80000046;
	[dreg:$0x1] =	wrdreg $0xFFFFFFFF  }
0xa7: {  	s28 =	simm.s32 $_size_execute0_lowered;
	s3 =	sadd.s32 s3, s5;
	[dreg:$0x0] =	wrdreg $0x0  }
0xa8: {  	s5 =	sshll.u32 s28, $0x1;
	[dreg:$0x2] =	wrdreg s3  }
0xa9: {  	[dreg:$0x3] =	wrdreg s5  }
0xaa: {  	[dreg:$0x4] =	wrdreg $0xC0  }
0xab: {  	_ =	task [dreg:s7], $0x5FFFF  }
0xac: {  	[dreg:$0x1] =	wrdreg $0xFFFFFFFF  }
0xad: {  	[dreg:$0x0] =	wrdreg $0x60  }
0xae: {  	[dreg:$0x2] =	wrdreg s24  }
0xaf: {  	[dreg:$0x3] =	wrdreg s2  }
0xb0: {  	[dreg:$0x4] =	wrdreg $0xE4000  }
0xb1: {  	[dreg:$0x5] =	wrdreg $0x184000  }
0xb2: {  	[dreg:$0x6] =	wrdreg $0x9  }
0xb3: {  	_ =	task.clear_ibuf [dreg:s7], $0x7FFFF;
	_ =	strace $0x90000046  }
0xb4: {  	s29 =	simm.s32 $0x9;
	_ =	strace $0x80000048  }
0xb5: {  	_ =	swait.ge [sflag:s29], $0x1  }
0xb6: {  	[sflag:s29] =	ssyncadd.s32 $0xFFFFFFFF  }
0xb7: {  	_ =	strace $0x90000048  }
0xb8: {  	_ =	sfence  }
0xb9: {  	s30 =	sld [smem:$0x0];
	_ =	sdelay $0x2  }
0xba: {  	s31 =	sshll.u32 s1, $0xD;
	s1 =	sshrl.u32 s1, $0x2  }
0xbb: {  	s3 =	sand.u32 $0x4000, s31;
	s1 =	sadd.s32 s1, s30  }
0xbc: {  	s0 =	sor.u32 s3, s0;
	s1 =	sshll.u32 s1, $0x11  }
0xbd: {  	s0 =	sor.u32 s1, s0  }
0xbe: {  	s0 =	sadd.s32 $0x8F2B, s0  }
0xbf: {  	[sflag:s0] =	ssyncadd.remote.s32 $0x1  }
0xc0: {  	_ =	sfence.sel $0xFFFF  }
0xc1: {  	[dreg:$0x0] =	wrdreg $0xFFFFFFFF;
	(pc) =	sbr.abs _section_cstart, $3  }
0xc2: {  	[dreg:$0x1] =	wrdreg $0xFFFFFFFF  }
0xc3: {  	_ =	task.clear_ibuf [dreg:s7], $0x2FFFF;
	_ =	strace $0x9FFFFFFF  }
0xc4: {  	(tm) =	ssettm $0x7FFFFFFF  }
0xc5: {  	_ =	shalt  }
tec
execute0_lowered:
.L_overlay_start_1:
0x0: {  	(tag) =	ssettag $0x1  }
0x1: {  	s0 =	rddreg [dreg:$0x0]  }
0x2: {  	s2 =	rddreg [dreg:$0x1]  }
0x3: {  	s1 =	rddreg [dreg:$0x2];
	s4 =	srdreg.scid  }
0x4: {  	s3 =	rddreg [dreg:$0x3];
	s16 =	stileid.u32  }
0x5: {  	s20 =	simm.s32 $0x80;
	s21 =	simm.s32 $0xA000;
	s22 =	simm.s32 $0xC000  }
0x6: {  	s23 =	simm.s32 $0x1;
	s24 =	simm.s32 $0x2;
	s9 =	smul.u32 $0xA00, s16  }
0x7: {  	s26 =	simm.s32 $0x0;
	s17 =	sand.u32 $0x1, s4;
	s8 =	smul.u32 $0xA000, s16  }
0x8: {  	s4 =	simm.s32 $0x0;
	s10 =	smul.u32 $0x1400, s16;
	s6 =	sadd.s32 $0x83C00, s0  }
0x9: {  	s16 =	sshll.u32 s16, $0x6;
	s7 =	smul.u32 $0xA0000, s17;
	[smem:$0x7FF] =	sst s4  }
0xa: {  	s13 =	smul.u32 $0x14000, s17;
	s15 =	ssub.s32 $0x2, s17;
	p0 =	sne.s32 s17, $0x0  }
0xb: {  	p1 =	seq.s32 s17, $0x0;
	_ =	strace $0x80000047;
	s12 =	sadd.s32 s9, s0  }
0xc: {  	s31 =	sshrl.u32 s15, $0x1;
	s18 =	sadd.s32 s8, s1;
	s19 =	sadd.s32 s10, s3  }
0xd: {  	s9 =	sadd.s32 s2, s9;
	s5 =	sshrl.u32 s7, $0x3;
	s14 =	sadd.s32 s8, s7  }
0xe: {  	s7 =	sadd.s32 $0x83A00, s0;
	s13 =	sadd.s32 s10, s13;
	s15 =	ssub.s32 s15, s31  }
0xf: {  	s8 =	sor.u32 $0x1C03, s16;
	s10 =	sadd.s32 $0x79A00, s12;
	s16 =	simm.s32 $0x3  }
0x10: {  	s11 =	sadd.s32 s5, s0;
	s14 =	sshrl.u32 s14, $0x3;
	s13 =	sshrl.u32 s13, $0x3  }
0x11: {  	s5 =	sadd.s32 $0x84000, s0;
	s14 =	sadd.s32 s14, s0;
	s0 =	sadd.s32 s13, s0  }
0x12: {  	s11 =	sadd.s32 $0x51A00, s11;
	s12 =	sadd.s32 $0x85400, s14;
	s13 =	sadd.s32 $0xAD400, s0  }
0x13: {  	s14 =	smax.u32 s15, $0x1;
	s15 =	sshrl.u32 s18, $0x3;
	s18 =	sshrl.u32 s19, $0x3  }
.LBB2_1:
0x14: {  	[spmem:s15], [sflag:s8] =	dma.local [hbm:s5], $0x1400  }
0x15: {  	_ =	swait.ge [sflag:s16], $0x1400  }
0x16: {  	[sflag:s16] =	ssyncset.done $0x0  }
0x17: {  	s0 =	simm.s32 $0xE000;
	[sflag:s16] =	ssyncadd.s32 $0xFFFFEC00  }
0x18: {  	[tilespmem:s0], [sflag:$0x3] =	stream.linear.gather [hbm4b:s7+s4], $0x400, $0x38;
	[tilespmem:$0x19800] =	vst v63  }
0x19: {  	_ =	swait.ge [sflag:s16], $0x400  }
0x1a: {  	[sflag:s16] =	ssyncset.done $0x0  }
0x1b: {  	[sflag:s16] =	ssyncadd.s32 $0xFFFFFC00  }
0x1c: {  	[spmem:s18], [sflag:s8] =	dma.local [hbm:s6], $0x280  }
0x1d: {  	_ =	swait.ge [sflag:s16], $0x280  }
0x1e: {  	[sflag:s16] =	ssyncset.done $0x0  }
0x1f: {  	[sflag:s16] =	ssyncadd.s32 $0xFFFFFD80  }
0x20: {  	[bflag:$0x0] =	sbarrier.arrive $0xFFFF  }
0x21: {  	[tilespmem:s4], [sflag:$0x3] =	stream.linear.gather [hbm4b:s9+s4], $0x5000, $0x38;
	[tilespmem:$0x19800] =	vst v63  }
0x22: {  	_ =	swait.ge [sflag:s16], $0x5000  }
0x23: {  	[sflag:s16] =	ssyncset.done $0x0  }
0x24: {  	s19 =	simm.s32 $0x5000;
	[sflag:s16] =	ssyncadd.s32 $0xFFFFB000  }
0x25: {  	[tilespmem:s19], [sflag:$0x3] =	stream.linear.gather [hbm4b:s10+s4], $0x5000, $0x38;
	[tilespmem:$0x19800] =	vst v63  }
0x26: {  	_ =	swait.ge [sflag:s16], $0x5000  }
0x27: {  	[sflag:s16] =	ssyncset.done $0x0  }
0x28: {  	[sflag:s16] =	ssyncadd.s32 $0xFFFFB000  }
0x29: {  	[tilespmem:s21], [sflag:$0x1] =	stream.indirect.gather [hbm4b:s11+s20], $0x40, s4, s20, $0xb8;
	[tilespmem:$0x19800] =	vst v63  }
0x2a: {  	_ = 	snop  }
0x2b: {  	[tilespmem:s22], [sflag:$0x2] =	stream.indirect.gather [hbm4b:s11+s20], $0x40, s20, s20, $0xb8;
	[tilespmem:$0x19800] =	vst v63  }
0x2c: {  	_ =	swait.ge [sflag:s23], $0x2000  }
0x2d: {  	[sflag:s23] =	ssyncset.done $0x0  }
0x2e: {  	s0 =	simm.s32 $0x5000;
	[sflag:s23] =	ssyncadd.s32 $0xFFFFE000  }
0x2f: {  	[spmem:s1] =	stream.indirect.scatter.add.f32 [tilespmem:s21], [sflag:$0x3], $0x40, s0, s20, $0xb8;
	[tilespmem:$0x19800] =	vst v63  }
0x30: {  	_ =	swait.ge [sflag:s16], $0x2000  }
0x31: {  	s28 =	simm.s32 @!p0 $0x3;
	[sflag:s16] =	ssyncset.done $0x0  }
0x32: {  	s29 =	simm.s32 @!p0 $0x80;
	s30 =	simm.s32 @!p0 $0xE000;
	[sflag:s16] =	ssyncadd.s32 $0xFFFFE000  }
0x33: {  	[spmem:s3] =	stream.indirect.scatter.add.f32 @!p0 [tilespmem:s30], [sflag:$0x3], $0x8, s0, s29, $0xb8;
	[tilespmem:$0x19800] =	vst v63  }
0x34: {  	_ =	swait.ge @!p0 [sflag:s28], $0x400  }
0x35: {  	[sflag:s28] =	ssyncset.done @!p0 $0x0  }
0x36: {  	s25 =	simm.s32 $0x100;
	[sflag:s28] =	ssyncadd.s32 @!p0 $0xFFFFFC00  }
0x37: {  	[tilespmem:s21], [sflag:$0x1] =	stream.indirect.gather [hbm4b:s11+s20], $0x40, s25, s20, $0xb8;
	[tilespmem:$0x19800] =	vst v63  }
0x38: {  	_ =	swait.ge [sflag:s24], $0x2000  }
0x39: {  	[sflag:s24] =	ssyncset.done $0x0  }
0x3a: {  	s17 =	simm.s32 $0x5080;
	[sflag:s24] =	ssyncadd.s32 $0xFFFFE000  }
0x3b: {  	[spmem:s1] =	stream.indirect.scatter.add.f32 [tilespmem:s22], [sflag:$0x3], $0x40, s17, s20, $0xb8;
	[tilespmem:$0x19800] =	vst v63  }
0x3c: {  	_ =	swait.ge [sflag:s16], $0x2000  }
0x3d: {  	s31 =	simm.s32 @!p1 $0xE000;
	[sflag:s16] =	ssyncset.done $0x0  }
0x3e: {  	s2 =	simm.s32 @!p1 $0x80;
	s0 =	simm.s32 @!p1 $0x3;
	[sflag:s16] =	ssyncadd.s32 $0xFFFFE000  }
0x3f: {  	[spmem:s3] =	stream.indirect.scatter.add.f32 @!p1 [tilespmem:s31], [sflag:$0x3], $0x8, s17, s2, $0xb8;
	[tilespmem:$0x19800] =	vst v63  }
0x40: {  	_ =	swait.ge @!p1 [sflag:s0], $0x400  }
0x41: {  	[sflag:s0] =	ssyncset.done @!p1 $0x0  }
0x42: {  	s19 =	simm.s32 $0x180;
	s17 =	simm.s32 $0x400;
	[sflag:s0] =	ssyncadd.s32 @!p1 $0xFFFFFC00  }
.LBB2_2:
0x43: {  	[tilespmem:s22], [sflag:$0x2] =	stream.indirect.gather [hbm4b:s11+s20], $0x40, s19, s20, $0xb8;
	[tilespmem:$0x19800] =	vst v63  }
0x44: {  	s19 =	smov.u32 s17;
	s17 =	sadd.s32 $0x400, s17;
	_ =	swait.ge [sflag:s23], $0x2000  }
0x45: {  	s19 =	sshra.s32 s19, $0x2;
	p2 =	sne.s32 s17, $0x13C00;
	[sflag:s23] =	ssyncset.done $0x0  }
0x46: {  	s25 =	sadd.s32 $0x5000, s19;
	[sflag:s23] =	ssyncadd.s32 $0xFFFFE000  }
0x47: {  	[spmem:s1] =	stream.indirect.scatter.add.f32 [tilespmem:s21], [sflag:$0x3], $0x40, s25, s20, $0xb8;
	[tilespmem:$0x19800] =	vst v63  }
0x48: {  	_ =	swait.ge [sflag:s16], $0x2000  }
0x49: {  	[sflag:s16] =	ssyncset.done $0x0  }
0x4a: {  	[sflag:s16] =	ssyncadd.s32 $0xFFFFE000  }
0x4b: {  	[spmem:s3] =	stream.indirect.scatter.add.f32 @!p0 [tilespmem:s30], [sflag:$0x3], $0x8, s25, s29, $0xb8;
	[tilespmem:$0x19800] =	vst v63  }
0x4c: {  	_ =	swait.ge @!p0 [sflag:s28], $0x400  }
0x4d: {  	[sflag:s28] =	ssyncset.done @!p0 $0x0  }
0x4e: {  	s25 =	sadd.s32 $0x100, s19;
	[sflag:s28] =	ssyncadd.s32 @!p0 $0xFFFFFC00  }
0x4f: {  	[tilespmem:s21], [sflag:$0x1] =	stream.indirect.gather [hbm4b:s11+s20], $0x40, s25, s20, $0xb8;
	[tilespmem:$0x19800] =	vst v63  }
0x50: {  	_ =	swait.ge [sflag:s24], $0x2000  }
0x51: {  	[sflag:s24] =	ssyncset.done $0x0  }
0x52: {  	s25 =	sadd.s32 $0x5080, s19;
	[sflag:s24] =	ssyncadd.s32 $0xFFFFE000  }
0x53: {  	[spmem:s1] =	stream.indirect.scatter.add.f32 [tilespmem:s22], [sflag:$0x3], $0x40, s25, s20, $0xb8;
	[tilespmem:$0x19800] =	vst v63  }
0x54: {  	_ =	swait.ge [sflag:s16], $0x2000  }
0x55: {  	[sflag:s16] =	ssyncset.done $0x0  }
.Ltmp0:
0x56: {  	[sflag:s16] =	ssyncadd.s32 $0xFFFFE000;
	(pc) =	sbr.rel @p2 .LBB2_2-.Ltmp0, $4  }
0x57: {  	[spmem:s3] =	stream.indirect.scatter.add.f32 @!p1 [tilespmem:s31], [sflag:$0x3], $0x8, s25, s2, $0xb8;
	[tilespmem:$0x19800] =	vst v63  }
0x58: {  	_ =	swait.ge @!p1 [sflag:s0], $0x400  }
0x59: {  	[sflag:s0] =	ssyncset.done @!p1 $0x0  }
0x5a: {  	s19 =	sadd.s32 $0x180, s19;
	[sflag:s0] =	ssyncadd.s32 @!p1 $0xFFFFFC00  }
0x5b: {  	[tilespmem:s22], [sflag:$0x2] =	stream.indirect.gather [hbm4b:s11+s20], $0x40, s19, s20, $0xb8;
	[tilespmem:$0x19800] =	vst v63  }
0x5c: {  	_ =	swait.ge [sflag:s23], $0x2000  }
0x5d: {  	[sflag:s23] =	ssyncset.done $0x0  }
0x5e: {  	s0 =	simm.s32 $0x9F00;
	[sflag:s23] =	ssyncadd.s32 $0xFFFFE000  }
0x5f: {  	[spmem:s1] =	stream.indirect.scatter.add.f32 [tilespmem:s21], [sflag:$0x3], $0x40, s0, s20, $0xb8;
	[tilespmem:$0x19800] =	vst v63  }
0x60: {  	_ =	swait.ge [sflag:s16], $0x2000  }
0x61: {  	[sflag:s16] =	ssyncset.done $0x0  }
0x62: {  	s0 =	simm.s32 @p0 $0x2;
	[sflag:s16] =	ssyncadd.s32 $0xFFFFE000  }
0x63: {  	_ =	swait.ge @p0 [sflag:s0], $0x2000  }
0x64: {  	s2 =	simm.s32 @p0 $0x9F80;
	[sflag:s0] =	ssyncset.done @p0 $0x0  }
0x65: {  	s17 =	simm.s32 @p0 $0xC000;
	[sflag:s0] =	ssyncadd.s32 @p0 $0xFFFFE000;
	s0 =	simm.s32 @p0 $0x80  }
0x66: {  	[spmem:s1] =	stream.indirect.scatter.add.f32 @p0 [tilespmem:s17], [sflag:$0x3], $0x40, s2, s0, $0xb8;
	[tilespmem:$0x19800] =	vst v63  }
0x67: {  	s17 =	simm.s32 @p0 $0x3  }
0x68: {  	_ =	swait.ge @p0 [sflag:s17], $0x2000  }
0x69: {  	[sflag:s17] =	ssyncset.done @p0 $0x0  }
0x6a: {  	s19 =	simm.s32 @p0 $0xE000;
	[sflag:s17] =	ssyncadd.s32 @p0 $0xFFFFE000  }
0x6b: {  	[spmem:s3] =	stream.indirect.scatter.add.f32 @p0 [tilespmem:s19], [sflag:$0x3], $0x8, s2, s0, $0xb8;
	[tilespmem:$0x19800] =	vst v63  }
0x6c: {  	_ =	swait.ge @p0 [sflag:s17], $0x400  }
0x6d: {  	[sflag:s17] =	ssyncset.done @p0 $0x0  }
0x6e: {  	s0 =	simm.s32 @!p0 $0x9F00;
	[sflag:s17] =	ssyncadd.s32 @p0 $0xFFFFFC00  }
0x6f: {  	[spmem:s3] =	stream.indirect.scatter.add.f32 @!p0 [tilespmem:s30], [sflag:$0x3], $0x8, s0, s29, $0xb8;
	[tilespmem:$0x19800] =	vst v63  }
0x70: {  	_ =	swait.ge @!p0 [sflag:s28], $0x400  }
0x71: {  	[sflag:s28] =	ssyncset.done @!p0 $0x0  }
0x72: {  	s0 =	simm.s32 @!p0 $0x2;
	[sflag:s28] =	ssyncadd.s32 @!p0 $0xFFFFFC00  }
0x73: {  	_ =	swait.ge @!p0 [sflag:s0], $0x2000  }
0x74: {  	[sflag:s0] =	ssyncset.done @!p0 $0x0  }
0x75: {  	s2 =	simm.s32 @!p0 $0xC000;
	[sflag:s0] =	ssyncadd.s32 @!p0 $0xFFFFE000;
	s0 =	simm.s32 @!p0 $0x9F80  }
0x76: {  	[spmem:s1] =	stream.indirect.scatter.add.f32 @!p0 [tilespmem:s2], [sflag:$0x3], $0x40, s0, s29, $0xb8;
	[tilespmem:$0x19800] =	vst v63  }
0x77: {  	_ =	swait.ge @!p0 [sflag:s28], $0x2000  }
0x78: {  	[sflag:s28] =	ssyncset.done @!p0 $0x0  }
0x79: {  	[sflag:s28] =	ssyncadd.s32 @!p0 $0xFFFFE000  }
0x7a: {  	[bflag:$0x0] =	sbarrier.arrive $0xFFFF  }
0x7b: {  	[hbm:s12], [sflag:s8] =	dma.local [spmem:s15], $0x1400  }
0x7c: {  	s26 =	sadd.s32 $0x1, s26;
	_ =	swait.ge [sflag:s16], $0x1400  }
0x7d: {  	p2 =	sne.s32 s26, s14;
	[sflag:s16] =	ssyncset.done $0x0  }
.Ltmp1:
0x7e: {  	[sflag:s16] =	ssyncadd.s32 $0xFFFFEC00;
	(pc) =	sbr.rel @p2 .LBB2_1-.Ltmp1, $4  }
0x7f: {  	[hbm:s13], [sflag:s8] =	dma.local [spmem:s18], $0x280  }
0x80: {  	_ =	swait.ge [sflag:s16], $0x280  }
0x81: {  	[sflag:s16] =	ssyncset.done $0x0  }
0x82: {  	[sflag:s16] =	ssyncadd.s32 $0xFFFFFD80  }
0x83: {  	_ =	sfence.sel $0x180000  }
0x84: {  	[bflag:$0x0] =	sbarrier.arrive $0xFFFF  }
0x85: {  	_ =	strace $0x90000047  }
0x86: {  	s0 =	stileid.u32;
	[bflag:$0x2] =	sbarrier.arrive $0xFFFF  }
0x87: {  	p0 =	sne.s32 s0, $0x0;
	s0 =	rddreg [dreg:$0x4]  }
0x88: {  	s0 =	sadd.s32 @!p0 $0x100000, s0  }
0x89: {  	[sflag:s0] =	ssyncadd.tile.s32 @!p0 $0x1;
	_ =	shalt  }
.Lfunc_end2:
_tile_overlayer_lowered:
.L_overlay_start_2:
0x8a: {  	(tag) =	ssettag $0x2  }
0x8b: {  	s0 =	rddreg [dreg:$0x0];
	s2 =	stileid.u32  }
0x8c: {  	s1 =	rddreg [dreg:$0x1];
	p0 =	sne.s32 s2, $0x0  }
0x8d: {  	s3 =	rddreg [dreg:$0x2];
	[bflag:$0x3] =	sbarrier.arrive $0xFFFF;
	s2 =	simm.s32 @!p0 $0x1C03  }
0x8e: {  	[timem:s3], [sflag:s2] =	dma.local @!p0 [hbm:s0], s1  }
0x8f: {  	s0 =	simm.s32 @!p0 $0x3  }
0x90: {  	_ =	swait.ge @!p0 [sflag:s0], s1  }
0x91: {  	s1 =	ssub.s32 @!p0 $0x0, s1;
	[sflag:s0] =	ssyncset.done @!p0 $0x0  }
0x92: {  	[sflag:s0] =	ssyncadd.s32 @!p0 s1  }
0x93: {  	[bflag:$0x3] =	sbarrier.arrive $0xFFFF  }
0x94: {  	_ =	shalt  }

// kernel: kernel.9.cloned.1.call-start
scs
__scs_entry_jumppad:
0x0: {  	(pc) =	sbr.rel $0x88, $3  }
0x1: {  	(tag) =	ssettag $0x0;
	lr =	simm.s32 $0x1  }
0x2: {  	[smem:$0x3F99] =	sst lr;
	_ =	strace $0xD0000000  }
0x3: {  	_ = 	snop  }
0x4: {  	_ = 	snop  }
0x5: {  	_ = 	snop  }
0x6: {  	_ = 	snop  }
0x7: {  	_ = 	snop  }
__scs_overlays_trampoline_lowered:
0x8: {  	[smem:$0x3FA8] =	sst s0  }
0x9: {  	[smem:$0x3FA9] =	sst s1  }
0xa: {  	[smem:$0x3FAA] =	sst s2  }
0xb: {  	[smem:$0x3FAB] =	sst s3  }
0xc: {  	[smem:$0x3FAC] =	sst s4  }
0xd: {  	[smem:$0x3FAD] =	sst s5  }
0xe: {  	[smem:$0x3FAE] =	sst s6  }
0xf: {  	[smem:$0x3FAF] =	sst s7  }
0x10: {  	[smem:$0x3FB0] =	sst s8  }
0x11: {  	[smem:$0x3FB1] =	sst s9;
	s0 =	simm.s32 @!p0 $0x0  }
0x12: {  	s1 =	sld [smem:$0x3F97];
	s0 =	simm.s32 @p0 $0x1  }
0x13: {  	[smem:$0x3FB2] =	sst s0;
	s0 =	simm.s32 @!p1 $0x0  }
0x14: {  	s2 =	sld [smem:$0x3F96];
	s0 =	simm.s32 @p1 $0x1  }
0x15: {  	[smem:$0x3FB3] =	sst s0;
	s0 =	simm.s32 @!p2 $0x0  }
0x16: {  	s3 =	sld [smem:$0x3FDB];
	s0 =	simm.s32 @p2 $0x1  }
0x17: {  	s4 =	simm.s32 $0x1BF5;
	[smem:$0x3FB5] =	sst s0  }
0x18: {  	s0 =	sld [smem:$0x3F98];
	_ =	swait.ge [sflag:s4], $0x0  }
0x19: {  	s7 =	sld [smem:$0x3F99]  }
0x1a: {  	s8 =	sadd.s32 $0xFFFFE003, lr  }
0x1b: {  	s9 =	sadd.s32 $0xFFFFFEF7, lr;
	s5 =	simm.s32 $0xFFFFFFFF;
	p2 =	slt.u32 s8, $0xFFFFF086  }
0x1c: {  	p1 =	slt.u32 s9, $0xF7A;
	s5 =	simm.s32 @!p2 $0x0  }
0x1d: {  	s5 =	simm.s32 @p1 $0x1;
	p0 =	seq.s32 s7, s2  }
0x1e: {  	s7 =	smul.u32 @!p0 $0xF7A, s2;
	p2 =	seq.s32 @!p0 s5, $0x0  }
0x1f: {  	s9 =	smul.u32 $0xF7A, s1;
	s8 =	simm.s32 @!p0 $0x1BF5;
	p2 =	por !p2, p0  }
0x20: {  	[sflag:s8] =	ssyncset.s32 @!p0 $0xFFFFF086;
	s6 =	sadd.s32 @!p0 s3, s7;
	s7 =	simm.s32 @!p0 $0x108  }
0x21: {  	s3 =	sadd.s32 s3, s9;
	s6 =	sadd.s32 @!p0 $0x88, s6;
	s7 =	simm.s32 @p2 $0x1082  }
0x22: {  	[simem:s7], [sflag:s8] =	dma.local @!p0 [hbm:s6], $0xF7A  }
0x23: {  	s9 =	sor.u32 $0xD0000000, s2;
	s6 =	simm.s32 $0x108;
	_ =	swait.ge @!p0 [sflag:s8], $0x0  }
0x24: {  	s3 =	sadd.s32 $0x88, s3;
	s6 =	simm.s32 @!p1 $0x1082;
	[sflag:s4] =	ssyncset.s32 $0xFFFFF086  }
0x25: {  	[simem:s6], [sflag:s4] =	dma.local [hbm:s3], $0xF7A  }
0x26: {  	[smem:$0x3F99] =	sst s1;
	(tag) =	ssettag s2;
	_ =	strace s9  }
0x27: {  	s1 =	sld [smem:$0x3FA9]  }
0x28: {  	s2 =	sld [smem:$0x3FAA]  }
0x29: {  	s4 =	sld [smem:$0x3FAC]  }
0x2a: {  	p0 =	seq.s32 s5, $0x0;
	s5 =	sld [smem:$0x3FAD]  }
0x2b: {  	s6 =	sld [smem:$0x3FAE]  }
0x2c: {  	s7 =	sld [smem:$0x3FAF]  }
0x2d: {  	s3 =	simm.s32 $0x108;
	s8 =	sld [smem:$0x3FB0]  }
0x2e: {  	s3 =	simm.s32 @!p0 $0x1082;
	s9 =	sld [smem:$0x3FB1]  }
0x2f: {  	lr =	sadd.s32 s0, s3;
	s0 =	sld [smem:$0x3FA8]  }
0x30: {  	s3 =	sld [smem:$0x3FAB]  }
0x31: {  	[smem:$0x3FB4] =	sst s10  }
0x32: {  	s10 =	sld [smem:$0x3FB2];
	_ =	sdelay $0x3  }
0x33: {  	p0 =	seq.s32 s10, $0x1;
	s10 =	sld [smem:$0x3FB4];
	_ =	sdelay $0x3  }
0x34: {  	[smem:$0x3FB4] =	sst s10  }
0x35: {  	s10 =	sld [smem:$0x3FB3];
	_ =	sdelay $0x3  }
0x36: {  	p1 =	seq.s32 s10, $0x1;
	s10 =	sld [smem:$0x3FB4];
	_ =	sdelay $0x3  }
0x37: {  	[smem:$0x3FB4] =	sst s10  }
0x38: {  	s10 =	sld [smem:$0x3FB5]  }
0x39: {  	_ = 	snop;
	(pc) =	sbr.ind lr, $3  }
0x3a: {  	_ = 	snop  }
0x3b: {  	_ = 	snop  }
0x3c: {  	p2 =	seq.s32 s10, $0x1;
	s10 =	sld [smem:$0x3FB4]  }
0x3d: {  	_ =	shalt  }
0x3e: {  	_ =	shalt  }
0x3f: {  	_ =	shalt  }
0x40: {  	_ =	shalt  }
0x41: {  	_ =	shalt  }
0x42: {  	_ =	shalt  }
0x43: {  	_ =	shalt  }
0x44: {  	_ =	shalt  }
0x45: {  	_ =	shalt  }
0x46: {  	_ =	shalt  }
0x47: {  	_ =	shalt  }
0x48: {  	_ =	shalt  }
0x49: {  	_ =	shalt  }
0x4a: {  	_ =	shalt  }
0x4b: {  	_ =	shalt  }
0x4c: {  	_ =	shalt  }
0x4d: {  	_ =	shalt  }
0x4e: {  	_ =	shalt  }
0x4f: {  	_ =	shalt  }
0x50: {  	_ =	shalt  }
0x51: {  	_ =	shalt  }
0x52: {  	_ =	shalt  }
0x53: {  	_ =	shalt  }
0x54: {  	_ =	shalt  }
0x55: {  	_ =	shalt  }
0x56: {  	_ =	shalt  }
0x57: {  	_ =	shalt  }
0x58: {  	_ =	shalt  }
0x59: {  	_ =	shalt  }
0x5a: {  	_ =	shalt  }
0x5b: {  	_ =	shalt  }
0x5c: {  	_ =	shalt  }
0x5d: {  	_ =	shalt  }
0x5e: {  	_ =	shalt  }
0x5f: {  	_ =	shalt  }
0x60: {  	_ =	shalt  }
0x61: {  	_ =	shalt  }
0x62: {  	_ =	shalt  }
0x63: {  	_ =	shalt  }
0x64: {  	_ =	shalt  }
0x65: {  	_ =	shalt  }
0x66: {  	_ =	shalt  }
0x67: {  	_ =	shalt  }
0x68: {  	_ =	shalt  }
0x69: {  	_ =	shalt  }
0x6a: {  	_ =	shalt  }
0x6b: {  	_ =	shalt  }
0x6c: {  	_ =	shalt  }
0x6d: {  	_ =	shalt  }
0x6e: {  	_ =	shalt  }
0x6f: {  	_ =	shalt  }
0x70: {  	_ =	shalt  }
0x71: {  	_ =	shalt  }
0x72: {  	_ =	shalt  }
0x73: {  	_ =	shalt  }
0x74: {  	_ =	shalt  }
0x75: {  	_ =	shalt  }
0x76: {  	_ =	shalt  }
0x77: {  	_ =	shalt  }
0x78: {  	_ =	shalt  }
0x79: {  	_ =	shalt  }
0x7a: {  	_ =	shalt  }
0x7b: {  	_ =	shalt  }
0x7c: {  	_ =	shalt  }
0x7d: {  	_ =	shalt  }
0x7e: {  	_ =	shalt  }
0x7f: {  	_ =	shalt  }
0x80: {  	_ =	shalt  }
0x81: {  	_ =	shalt  }
0x82: {  	_ =	shalt  }
0x83: {  	_ =	shalt  }
0x84: {  	_ =	shalt  }
0x85: {  	_ =	shalt  }
0x86: {  	_ =	shalt  }
0x87: {  	_ =	shalt  }
.Lfunc_end0:
.L_simem_size_0:
called_computation.1_lowered:
.L_overlay_start_0:
0x88: {  	s2 =	sld [smem:$0x3FD9]  }
0x89: {  	s3 =	sld [smem:$0x3FFE];
	_ =	sdelay $0x1  }
0x8a: {  	s1 =	srdreg.scid  }
0x8b: {  	s0 =	sand.u32 $0x1, s1  }
0x8c: {  	s17 =	sshll.u32 s0, $0xA;
	s2 =	sadd.s32 s3, s2  }
0x8d: {  	s2 =	sadd.s32 s2, s17  }
0x8e: {  	[smem:$0x3FC0] =	sst s2  }
0x8f: {  	_ = 	snop  }
0x90: {  	s2 =	sld [smem:$0x3FD0];
	(tm) =	ssettm $0x1  }
0x91: {  	s18 =	sld [smem:$0x3FFB];
	_ =	sdelay $0x3  }
0x92: {  	_ =	strace s18  }
0x93: {  	s3 =	sld [smem:$0x3FFC];
	_ =	sdelay $0x3  }
0x94: {  	_ =	strace s3  }
0x95: {  	s3 =	sld [smem:$0x3FFD];
	_ =	sdelay $0x3  }
0x96: {  	_ =	strace s3  }
0x97: {  	_ =	strace $0x8FFFFFFF  }
0x98: {  	s19 =	sld [smem:$0x3FDB];
	_ =	sdelay $0x1  }
0x99: {  	s4 =	simm.s32 $_scs_section_size  }
0x9a: {  	s5 =	simm.s32 $_size__tile_overlayer_lowered;
	s6 =	simm.s32 $_tile_overlayer_lowered  }
0x9b: {  	s22 =	simm.s32 $0x1BFF;
	s21 =	sshll.u32 s6, $0x1;
	s3 =	sadd.s32 s4, s19  }
0x9c: {  	s7 =	simm.s32 $0x0;
	s20 =	sshll.u32 s5, $0x1;
	s5 =	sadd.s32 s21, s3  }
0x9d: {  	[timem:s7], [sflag:s22] =	dma.local [hbm:s5], s20  }
0x9e: {  	_ =	swait.ge [sflag:s22], s20  }
0x9f: {  	s4 =	ssub.s32 $0x0, s20;
	[sflag:s22] =	ssyncset.done $0x0  }
0xa0: {  	[sflag:s22] =	ssyncadd.s32 s4;
	_ =	sdelay $0x1  }
0xa1: {  	s23 =	simm.s32 $0x1B8B  }
0xa2: {  	_ =	swait.ge [sflag:s23], $0x1  }
0xa3: {  	[sflag:s23] =	ssyncset.done $0x0  }
0xa4: {  	s25 =	simm.s32 $0x1B8E;
	s24 =	sld [smem:$0x3FFE];
	[sflag:s23] =	ssyncadd.s32 $0xFFFFFFFF  }
0xa5: {  	s26 =	simm.s32 $execute0_lowered;
	[smem:$0x3FD2] =	sst s25  }
0xa6: {  	s5 =	sshll.u32 s26, $0x1;
	_ =	strace $0x80000049;
	[dreg:$0x1] =	wrdreg $0xFFFFFFFF  }
0xa7: {  	s28 =	simm.s32 $_size_execute0_lowered;
	s3 =	sadd.s32 s3, s5;
	[dreg:$0x0] =	wrdreg $0x0  }
0xa8: {  	s5 =	sshll.u32 s28, $0x1;
	[dreg:$0x2] =	wrdreg s3  }
0xa9: {  	[dreg:$0x3] =	wrdreg s5  }
0xaa: {  	[dreg:$0x4] =	wrdreg $0xC0  }
0xab: {  	_ =	task [dreg:s7], $0x5FFFF  }
0xac: {  	[dreg:$0x1] =	wrdreg $0xFFFFFFFF  }
0xad: {  	[dreg:$0x0] =	wrdreg $0x60  }
0xae: {  	[dreg:$0x2] =	wrdreg s24  }
0xaf: {  	[dreg:$0x3] =	wrdreg s2  }
0xb0: {  	[dreg:$0x4] =	wrdreg $0xE0000  }
0xb1: {  	[dreg:$0x5] =	wrdreg $0x9  }
0xb2: {  	_ =	task.clear_ibuf [dreg:s7], $0x6FFFF;
	_ =	strace $0x90000049  }
0xb3: {  	s29 =	simm.s32 $0x9;
	_ =	strace $0x8000004B  }
0xb4: {  	_ =	swait.ge [sflag:s29], $0x1  }
0xb5: {  	[sflag:s29] =	ssyncadd.s32 $0xFFFFFFFF  }
0xb6: {  	_ =	strace $0x9000004B  }
0xb7: {  	_ =	sfence  }
0xb8: {  	s30 =	sld [smem:$0x0];
	_ =	sdelay $0x2  }
0xb9: {  	s31 =	sshll.u32 s1, $0xD;
	s1 =	sshrl.u32 s1, $0x2  }
0xba: {  	s3 =	sand.u32 $0x4000, s31;
	s1 =	sadd.s32 s1, s30  }
0xbb: {  	s0 =	sor.u32 s3, s0;
	s1 =	sshll.u32 s1, $0x11  }
0xbc: {  	s0 =	sor.u32 s1, s0  }
0xbd: {  	s0 =	sadd.s32 $0x8F2B, s0  }
0xbe: {  	[sflag:s0] =	ssyncadd.remote.s32 $0x1  }
0xbf: {  	_ =	sfence.sel $0xFFFF  }
0xc0: {  	[dreg:$0x0] =	wrdreg $0xFFFFFFFF;
	(pc) =	sbr.abs _section_cstart, $3  }
0xc1: {  	[dreg:$0x1] =	wrdreg $0xFFFFFFFF  }
0xc2: {  	_ =	task.clear_ibuf [dreg:s7], $0x2FFFF;
	_ =	strace $0x9FFFFFFF  }
0xc3: {  	(tm) =	ssettm $0x7FFFFFFF  }
tec
execute0_lowered:
.L_overlay_start_1:
0x0: {  	(tag) =	ssettag $0x1  }
0x1: {  	s5 =	rddreg [dreg:$0x0]  }
0x2: {  	s6 =	rddreg [dreg:$0x1];
	s0 =	srdreg.scid  }
0x3: {  	s2 =	rddreg [dreg:$0x2];
	s1 =	stileid.u32;
	s3 =	simm.s32 $0x0  }
0x4: {  	s15 =	simm.s32 $0xA000;
	s16 =	simm.s32 $0xC000;
	s17 =	simm.s32 $0x1  }
0x5: {  	s18 =	simm.s32 $0x2;
	s19 =	simm.s32 $0x9F00;
	s20 =	simm.s32 $0x9F80  }
0x6: {  	s4 =	sand.u32 $0x1, s0;
	s0 =	rddreg [dreg:$0x3];
	s8 =	smul.u32 $0xA00, s1  }
0x7: {  	s21 =	simm.s32 $0x0;
	[smem:$0x7FF] =	sst s3;
	s10 =	smul.u32 $0xA000, s1  }
0x8: {  	s30 =	sshll.u32 s1, $0x6;
	s7 =	smul.u32 $0xA0000, s4;
	_ =	strace $0x8000004A  }
0x9: {  	s12 =	ssub.s32 $0x2, s4;
	s4 =	sadd.s32 $0x84000, s5;
	s11 =	sadd.s32 s8, s5  }
0xa: {  	s13 =	sshrl.u32 s12, $0x1;
	s31 =	sadd.s32 s10, s2;
	s6 =	sadd.s32 s6, s8  }
0xb: {  	s9 =	sshrl.u32 s7, $0x3;
	s7 =	sadd.s32 s10, s7;
	s12 =	ssub.s32 s12, s13  }
0xc: {  	s13 =	simm.s32 $0x5000;
	s9 =	sadd.s32 s9, s5;
	s7 =	sshrl.u32 s7, $0x3  }
0xd: {  	s10 =	smax.u32 s12, $0x1;
	s12 =	simm.s32 $0x3;
	s14 =	sadd.s32 s7, s5  }
0xe: {  	s5 =	sor.u32 $0x1C03, s30;
	s7 =	sadd.s32 $0x79A00, s11;
	s8 =	sadd.s32 $0x51A00, s9  }
0xf: {  	s11 =	sshrl.u32 s31, $0x3;
	s9 =	sadd.s32 $0xD5400, s14;
	s14 =	simm.s32 $0x80  }
.LBB2_1:
0x10: {  	[spmem:s11], [sflag:s5] =	dma.local [hbm:s4], $0x1400  }
0x11: {  	_ =	swait.ge [sflag:s12], $0x1400  }
0x12: {  	[sflag:s12] =	ssyncset.done $0x0  }
0x13: {  	[sflag:s12] =	ssyncadd.s32 $0xFFFFEC00  }
0x14: {  	[bflag:$0x0] =	sbarrier.arrive $0xFFFF  }
0x15: {  	[tilespmem:s3], [sflag:$0x3] =	stream.linear.gather [hbm4b:s6+s3], $0x5000, $0x38;
	[tilespmem:$0x18000] =	vst v63  }
0x16: {  	_ =	swait.ge [sflag:s12], $0x5000  }
0x17: {  	[sflag:s12] =	ssyncset.done $0x0  }
0x18: {  	[sflag:s12] =	ssyncadd.s32 $0xFFFFB000  }
0x19: {  	[tilespmem:s13], [sflag:$0x3] =	stream.linear.gather [hbm4b:s7+s3], $0x5000, $0x38;
	[tilespmem:$0x18000] =	vst v63  }
0x1a: {  	_ =	swait.ge [sflag:s12], $0x5000  }
0x1b: {  	[sflag:s12] =	ssyncset.done $0x0  }
0x1c: {  	[sflag:s12] =	ssyncadd.s32 $0xFFFFB000  }
0x1d: {  	[tilespmem:s15], [sflag:$0x1] =	stream.indirect.gather [hbm4b:s8+s14], $0x40, s3, s14, $0xb8;
	[tilespmem:$0x18000] =	vst v63  }
0x1e: {  	_ = 	snop  }
0x1f: {  	[tilespmem:s16], [sflag:$0x2] =	stream.indirect.gather [hbm4b:s8+s14], $0x40, s14, s14, $0xb8;
	[tilespmem:$0x18000] =	vst v63  }
0x20: {  	_ =	swait.ge [sflag:s17], $0x2000  }
0x21: {  	[sflag:s17] =	ssyncset.done $0x0  }
0x22: {  	s22 =	simm.s32 $0x5000;
	[sflag:s17] =	ssyncadd.s32 $0xFFFFE000  }
0x23: {  	[spmem:s2] =	stream.indirect.scatter.add.f32 [tilespmem:s15], [sflag:$0x3], $0x40, s22, s14, $0xb8;
	[tilespmem:$0x18000] =	vst v63  }
0x24: {  	_ =	swait.ge [sflag:s12], $0x2000  }
0x25: {  	[sflag:s12] =	ssyncset.done $0x0  }
0x26: {  	s30 =	simm.s32 $0x100;
	[sflag:s12] =	ssyncadd.s32 $0xFFFFE000  }
0x27: {  	[tilespmem:s15], [sflag:$0x1] =	stream.indirect.gather [hbm4b:s8+s14], $0x40, s30, s14, $0xb8;
	[tilespmem:$0x18000] =	vst v63  }
0x28: {  	_ =	swait.ge [sflag:s18], $0x2000  }
0x29: {  	[sflag:s18] =	ssyncset.done $0x0  }
0x2a: {  	s31 =	simm.s32 $0x5080;
	[sflag:s18] =	ssyncadd.s32 $0xFFFFE000  }
0x2b: {  	[spmem:s2] =	stream.indirect.scatter.add.f32 [tilespmem:s16], [sflag:$0x3], $0x40, s31, s14, $0xb8;
	[tilespmem:$0x18000] =	vst v63  }
0x2c: {  	_ =	swait.ge [sflag:s12], $0x2000  }
0x2d: {  	[sflag:s12] =	ssyncset.done $0x0  }
0x2e: {  	s23 =	simm.s32 $0x180;
	s22 =	simm.s32 $0x400;
	[sflag:s12] =	ssyncadd.s32 $0xFFFFE000  }
.LBB2_2:
0x2f: {  	[tilespmem:s16], [sflag:$0x2] =	stream.indirect.gather [hbm4b:s8+s14], $0x40, s23, s14, $0xb8;
	[tilespmem:$0x18000] =	vst v63  }
0x30: {  	s23 =	smov.u32 s22  }
0x31: {  	p0 =	sne.s32 s22, $0x13800;
	s22 =	sadd.s32 $0x400, s22;
	_ =	swait.ge [sflag:s17], $0x2000  }
0x32: {  	s23 =	sshra.s32 s23, $0x2;
	[sflag:s17] =	ssyncset.done $0x0  }
0x33: {  	s24 =	sadd.s32 $0x5000, s23;
	[sflag:s17] =	ssyncadd.s32 $0xFFFFE000  }
0x34: {  	[spmem:s2] =	stream.indirect.scatter.add.f32 [tilespmem:s15], [sflag:$0x3], $0x40, s24, s14, $0xb8;
	[tilespmem:$0x18000] =	vst v63  }
0x35: {  	_ =	swait.ge [sflag:s12], $0x2000  }
0x36: {  	[sflag:s12] =	ssyncset.done $0x0  }
0x37: {  	s24 =	sadd.s32 $0x100, s23;
	[sflag:s12] =	ssyncadd.s32 $0xFFFFE000  }
0x38: {  	[tilespmem:s15], [sflag:$0x1] =	stream.indirect.gather [hbm4b:s8+s14], $0x40, s24, s14, $0xb8;
	[tilespmem:$0x18000] =	vst v63  }
0x39: {  	_ =	swait.ge [sflag:s18], $0x2000  }
0x3a: {  	[sflag:s18] =	ssyncset.done $0x0  }
.Ltmp0:
0x3b: {  	s24 =	sadd.s32 $0x5080, s23;
	[sflag:s18] =	ssyncadd.s32 $0xFFFFE000;
	(pc) =	sbr.rel @p0 .LBB2_2-.Ltmp0, $4  }
0x3c: {  	[spmem:s2] =	stream.indirect.scatter.add.f32 [tilespmem:s16], [sflag:$0x3], $0x40, s24, s14, $0xb8;
	[tilespmem:$0x18000] =	vst v63  }
0x3d: {  	_ =	swait.ge [sflag:s12], $0x2000  }
0x3e: {  	[sflag:s12] =	ssyncset.done $0x0  }
0x3f: {  	s23 =	sadd.s32 $0x180, s23;
	[sflag:s12] =	ssyncadd.s32 $0xFFFFE000  }
0x40: {  	[tilespmem:s16], [sflag:$0x2] =	stream.indirect.gather [hbm4b:s8+s14], $0x40, s23, s14, $0xb8;
	[tilespmem:$0x18000] =	vst v63  }
0x41: {  	_ =	swait.ge [sflag:s17], $0x2000  }
0x42: {  	[sflag:s17] =	ssyncset.done $0x0  }
0x43: {  	[sflag:s17] =	ssyncadd.s32 $0xFFFFE000  }
0x44: {  	[spmem:s2] =	stream.indirect.scatter.add.f32 [tilespmem:s15], [sflag:$0x3], $0x40, s19, s14, $0xb8;
	[tilespmem:$0x18000] =	vst v63  }
0x45: {  	_ =	swait.ge [sflag:s12], $0x2000  }
0x46: {  	[sflag:s12] =	ssyncset.done $0x0  }
0x47: {  	[sflag:s12] =	ssyncadd.s32 $0xFFFFE000  }
0x48: {  	_ =	swait.ge [sflag:s18], $0x2000  }
0x49: {  	[sflag:s18] =	ssyncset.done $0x0  }
0x4a: {  	[sflag:s18] =	ssyncadd.s32 $0xFFFFE000  }
0x4b: {  	[spmem:s2] =	stream.indirect.scatter.add.f32 [tilespmem:s16], [sflag:$0x3], $0x40, s20, s14, $0xb8;
	[tilespmem:$0x18000] =	vst v63  }
0x4c: {  	_ =	swait.ge [sflag:s12], $0x2000  }
0x4d: {  	s21 =	sadd.s32 $0x1, s21;
	[sflag:s12] =	ssyncset.done $0x0  }
0x4e: {  	p0 =	sne.s32 s21, s10;
	[sflag:s12] =	ssyncadd.s32 $0xFFFFE000  }
.Ltmp1:
0x4f: {  	[bflag:$0x0] =	sbarrier.arrive $0xFFFF;
	(pc) =	sbr.rel @p0 .LBB2_1-.Ltmp1, $4  }
0x50: {  	[hbm:s9], [sflag:s5] =	dma.local [spmem:s11], $0x1400  }
0x51: {  	_ =	swait.ge [sflag:s12], $0x1400  }
0x52: {  	[sflag:s12] =	ssyncset.done $0x0  }
0x53: {  	[sflag:s12] =	ssyncadd.s32 $0xFFFFEC00  }
0x54: {  	_ =	sfence.sel $0x180000  }
0x55: {  	[bflag:$0x0] =	sbarrier.arrive $0xFFFF  }
0x56: {  	p0 =	sne.s32 s1, $0x0;
	_ =	strace $0x9000004A  }
0x57: {  	s0 =	sadd.s32 @!p0 $0x100000, s0;
	[bflag:$0x2] =	sbarrier.arrive $0xFFFF  }
0x58: {  	[sflag:s0] =	ssyncadd.tile.s32 @!p0 $0x1;
	_ =	shalt  }
.Lfunc_end2:
_tile_overlayer_lowered:
.L_overlay_start_2:
0x59: {  	(tag) =	ssettag $0x2  }
0x5a: {  	s0 =	rddreg [dreg:$0x0];
	s2 =	stileid.u32  }
0x5b: {  	s1 =	rddreg [dreg:$0x1];
	p0 =	sne.s32 s2, $0x0  }
0x5c: {  	s3 =	rddreg [dreg:$0x2];
	[bflag:$0x3] =	sbarrier.arrive $0xFFFF;
	s2 =	simm.s32 @!p0 $0x1C03  }
0x5d: {  	[timem:s3], [sflag:s2] =	dma.local @!p0 [hbm:s0], s1  }
0x5e: {  	s0 =	simm.s32 @!p0 $0x3  }
0x5f: {  	_ =	swait.ge @!p0 [sflag:s0], s1  }
0x60: {  	s1 =	ssub.s32 @!p0 $0x0, s1;
	[sflag:s0] =	ssyncset.done @!p0 $0x0  }
0x61: {  	[sflag:s0] =	ssyncadd.s32 @!p0 s1  }
0x62: {  	[bflag:$0x3] =	sbarrier.arrive $0xFFFF  }
0x63: {  	_ =	shalt  }

</sc_bundles>
